<compile_context>
chip_gen: v7x
topology: tpu7x:2x2x1
jax: 0.10.2.dev20260603
libtpu: 0.0.44.dev20260713+nightly
codegen_flags: <defaults>
</compile_context>

<pallas_src>
import jax
import jax.numpy as jnp
from jax import lax
from jax.experimental import pallas as pl
from jax.experimental.pallas import tpu as pltpu
from jax.experimental.pallas import tpu_sc as plsc

N = 10000
N_PAD = 10240
D = 128
E = 320000
NC = 2
NS = 16
NW = NC * NS
K = 128
NCH = 80
EPW = NCH * K
E_PAD = NW * EPW
ROWS_PT = N_PAD // NS


def _deg_body(dst_hbm, zeros_hbm, ones_hbm, deg_hbm, idx_v, ones_v, deg_sh, sem):
    c = lax.axis_index("c")
    s = lax.axis_index("s")
    base = s * ROWS_PT
    pltpu.sync_copy(zeros_hbm, deg_sh.at[pl.ds(base, ROWS_PT)])
    pltpu.sync_copy(dst_hbm.at[c, s], idx_v)
    pltpu.sync_copy(ones_hbm, ones_v)
    plsc.subcore_barrier()

    WAVE = 8

    def wave(g, carry):
        def fire(i, c2):
            pltpu.async_copy(ones_v, deg_sh.at[idx_v.at[g * WAVE + i]], sem,
                             add=True)
            return c2

        lax.fori_loop(0, WAVE, fire, 0)

        def drain(i, c2):
            pltpu.make_async_copy(ones_v, deg_sh.at[idx_v.at[0]], sem).wait()
            return c2

        lax.fori_loop(0, WAVE, drain, 0)
        return carry

    lax.fori_loop(0, NCH // WAVE, wave, 0)
    plsc.subcore_barrier()
    pltpu.sync_copy(deg_sh.at[pl.ds(base, ROWS_PT)],
                    deg_hbm.at[c, pl.ds(base, ROWS_PT)])


def _make_deg_kernel():
    mesh = plsc.VectorSubcoreMesh(core_axis_name="c", subcore_axis_name="s")
    return pl.kernel(
        _deg_body,
        out_type=jax.ShapeDtypeStruct((NC, N_PAD), jnp.float32),
        mesh=mesh,
        scratch_types=[
            pltpu.VMEM((NCH, K), jnp.int32),
            pltpu.VMEM((K,), jnp.float32),
            pltpu.VMEM_SHARED((N_PAD,), jnp.float32),
            pltpu.SemaphoreType.DMA,
        ],
    )


def _parity(sel, fn0, fn1):
    @pl.when(sel == 0)
    def _():
        fn0()

    @pl.when(sel == 1)
    def _():
        fn1()


def _scat_body(src_hbm, dst_hbm, hs_hbm, zrows_hbm, s_hbm,
               iv, rows_v, acc_sh, isem0, isem1, gsem0, gsem1):
    c = lax.axis_index("c")
    s = lax.axis_index("s")
    base = s * ROWS_PT

    @pl.when(c == 0)
    def _():
        pltpu.sync_copy(hs_hbm.at[pl.ds(base, ROWS_PT)],
                        acc_sh.at[pl.ds(base, ROWS_PT)])

    @pl.when(c == 1)
    def _():
        pltpu.sync_copy(zrows_hbm, acc_sh.at[pl.ds(base, ROWS_PT)])

    plsc.subcore_barrier()

    def step(j, carry):
        s3 = lax.rem(j, 3)
        p = lax.rem(j, 2)

        @pl.when(j < NCH)
        def _():
            def issue(isem):
                pltpu.async_copy(src_hbm.at[c, s, j], iv.at[s3, 0], isem)
                pltpu.async_copy(dst_hbm.at[c, s, j], iv.at[s3, 1], isem)

            _parity(p, lambda: issue(isem0), lambda: issue(isem1))

        @pl.when(jnp.logical_and(j >= 1, j <= NCH))
        def _():
            jm = j - 1
            m3 = lax.rem(jm, 3)
            mp = lax.rem(jm, 2)

            def drain(isem):
                pltpu.make_async_copy(src_hbm.at[c, s, 0], iv.at[m3, 0], isem).wait()
                pltpu.make_async_copy(dst_hbm.at[c, s, 0], iv.at[m3, 1], isem).wait()

            _parity(mp, lambda: drain(isem0), lambda: drain(isem1))

            def gath(gsem):
                pltpu.async_copy(hs_hbm.at[iv.at[m3, 0]], rows_v.at[mp], gsem)

            _parity(mp, lambda: gath(gsem0), lambda: gath(gsem1))

        @pl.when(j >= 2)
        def _():
            jm = j - 2
            m3 = lax.rem(jm, 3)
            mp = lax.rem(jm, 2)

            def drain(gsem):
                pltpu.make_async_copy(hs_hbm.at[iv.at[m3, 0]], rows_v.at[mp], gsem).wait()

            _parity(mp, lambda: drain(gsem0), lambda: drain(gsem1))
            pltpu.sync_copy(rows_v.at[mp], acc_sh.at[iv.at[m3, 1]], add=True)

        return carry

    lax.fori_loop(0, NCH + 2, step, 0)
    plsc.subcore_barrier()
    pltpu.sync_copy(acc_sh.at[pl.ds(base, ROWS_PT)],
                    s_hbm.at[c, pl.ds(base, ROWS_PT)])


def _make_scat_kernel():
    mesh = plsc.VectorSubcoreMesh(core_axis_name="c", subcore_axis_name="s")
    return pl.kernel(
        _scat_body,
        out_type=jax.ShapeDtypeStruct((NC, N_PAD, D), jnp.float32),
        mesh=mesh,
        scratch_types=[
            pltpu.VMEM((3, 2, K), jnp.int32),
            pltpu.VMEM((2, K, D), jnp.float32),
            pltpu.VMEM_SHARED((N_PAD, D), jnp.float32),
            pltpu.SemaphoreType.DMA,
            pltpu.SemaphoreType.DMA,
            pltpu.SemaphoreType.DMA,
            pltpu.SemaphoreType.DMA,
        ],
    )


_RB = 1024


def _mm_body(x_ref, w_ref, h_ref):
    h_ref[...] = jnp.dot(x_ref[...], w_ref[...],
                         preferred_element_type=jnp.float32)


def _make_mm_kernel():
    return pl.pallas_call(
        _mm_body,
        grid=(N_PAD // _RB,),
        in_specs=[
            pl.BlockSpec((_RB, D), lambda i: (i, 0)),
            pl.BlockSpec((D, D), lambda i: (0, 0)),
        ],
        out_specs=pl.BlockSpec((_RB, D), lambda i: (i, 0)),
        out_shape=jax.ShapeDtypeStruct((N_PAD, D), jnp.float32),
    )


def _scale_body(h_ref, deg_ref, hs_ref, dinv_ref):
    d = deg_ref[...]
    dinv = lax.rsqrt(d[0] + d[1] + 1.0)
    hs_ref[...] = h_ref[...] * dinv
    dinv_ref[...] = dinv


def _make_scale_kernel():
    return pl.pallas_call(
        _scale_body,
        grid=(N_PAD // _RB,),
        in_specs=[
            pl.BlockSpec((_RB, D), lambda i: (i, 0)),
            pl.BlockSpec((NC, _RB, 1), lambda i: (0, i, 0)),
        ],
        out_specs=[
            pl.BlockSpec((_RB, D), lambda i: (i, 0)),
            pl.BlockSpec((_RB, 1), lambda i: (i, 0)),
        ],
        out_shape=[
            jax.ShapeDtypeStruct((N_PAD, D), jnp.float32),
            jax.ShapeDtypeStruct((N_PAD, 1), jnp.float32),
        ],
    )


def _ep_body(s_ref, dinv_ref, b_ref, out_ref):
    sacc = s_ref[...]
    acc = sacc[0] + sacc[1]
    out_ref[...] = jnp.maximum(acc * dinv_ref[...] + b_ref[...], 0.0)


def _make_ep_kernel():
    return pl.pallas_call(
        _ep_body,
        grid=(N_PAD // _RB,),
        in_specs=[
            pl.BlockSpec((NC, _RB, D), lambda i: (0, i, 0)),
            pl.BlockSpec((_RB, 1), lambda i: (i, 0)),
            pl.BlockSpec((1, D), lambda i: (0, 0)),
        ],
        out_specs=pl.BlockSpec((_RB, D), lambda i: (i, 0)),
        out_shape=jax.ShapeDtypeStruct((N_PAD, D), jnp.float32),
    )


_deg_kernel = _make_deg_kernel()
_scat_kernel = _make_scat_kernel()
_mm_kernel = _make_mm_kernel()
_scale_kernel = _make_scale_kernel()
_ep_kernel = _make_ep_kernel()


@jax.jit
def kernel(x, edge_index, W, b):
    n_dummy = E_PAD - E
    pad_idx = (N + jax.lax.rem(jnp.arange(n_dummy, dtype=jnp.int32),
                               jnp.int32(N_PAD - N)))
    src = jnp.concatenate([edge_index[0], pad_idx]).reshape(NC, NS, NCH, K)
    dst = jnp.concatenate([edge_index[1], pad_idx]).reshape(NC, NS, NCH, K)
    x_pad = jnp.pad(x, ((0, N_PAD - N), (0, 0)))
    zeros1 = jnp.zeros((ROWS_PT,), jnp.float32)
    zrows = jnp.zeros((ROWS_PT, D), jnp.float32)
    ones = jnp.ones((K,), jnp.float32)

    deg = _deg_kernel(dst, zeros1, ones)
    h = _mm_kernel(x_pad, W)
    hs, dinv = _scale_kernel(h, deg.reshape(NC, N_PAD, 1))
    S = _scat_kernel(src, dst, hs, zrows)
    out = _ep_kernel(S, dinv, b.reshape(1, D))
    return out[:N]

# --- scband reference (transcript-rebuilt; emitter-appended) ---
"""Pipeline reference for scband-gcnlayer-66262755443071 (READ-ONLY COPY).

The authoritative reference and input builder live on the scoring server;
editing this copy changes nothing except your own understanding.
"""

import jax, jax.numpy as jnp
import numpy as np

N = 10000
E = 320000
D_IN = 128
D_OUT = 128


def setup_inputs(seed: int = 0) -> dict:
    key = jax.random.key(seed)
    k1, k2, k3 = jax.random.split(key, 3)
    x = jax.random.normal(k1, (N, D_IN), dtype=jnp.float32)
    edge_index = jax.random.randint(k2, (2, E), 0, N, dtype=jnp.int32)
    # GCNConv linear weight (glorot-ish init) and bias
    W = jax.random.normal(k3, (D_IN, D_OUT), dtype=jnp.float32) * (1.0 / np.sqrt(D_IN))
    b = jnp.zeros((D_OUT,), dtype=jnp.float32)
    return {"x": x, "edge_index": edge_index, "W": W, "b": b}


def reference(x, edge_index, W, b):
    # Faithful GCNConv: add self-loops, symmetric degree normalization,
    # linear transform, scatter-add aggregation, bias, then ReLU.
    # Dropout p=0.0 is identity.
    src = edge_index[0]
    dst = edge_index[1]
    loop = jnp.arange(N, dtype=src.dtype)
    src = jnp.concatenate([src, loop])
    dst = jnp.concatenate([dst, loop])
    ew = jnp.ones(src.shape[0], dtype=x.dtype)
    # degree via scatter-add on destination nodes
    deg = jnp.zeros((N,), dtype=x.dtype).at[dst].add(ew)
    deg_inv_sqrt = jnp.where(deg > 0, 1.0 / jnp.sqrt(deg), 0.0)
    norm = deg_inv_sqrt[src] * ew * deg_inv_sqrt[dst]
    # linear transform then gather/scatter message passing
    h = x @ W
    msg = h[src] * norm[:, None]
    out = jnp.zeros((N, D_OUT), dtype=x.dtype).at[dst].add(msg)
    out = out + b
    return jax.nn.relu(out)

if __name__ == "__main__":
    import jax
    _d = setup_inputs()
    print(jax.jit(kernel)(*tuple(_d.values())))

</pallas_src>

<mosaic_0001>
#map = affine_map<(d0, d1) -> (0, 0, 0, 0)>
#map1 = affine_map<(d0, d1) -> (0)>
#map2 = affine_map<(d0, d1) -> (0, 0)>
module attributes {stable_mosaic.version = 14 : i64} {
  func.func @_deg_body(%arg0: i32, %arg1: i32, %arg2: memref<2x16x80x128xi32, #tpu.memory_space<hbm>>, %arg3: memref<640xf32, #tpu.memory_space<hbm>>, %arg4: memref<128xf32, #tpu.memory_space<hbm>>, %arg5: memref<2x10240xf32, #tpu.memory_space<hbm>>, %arg6: memref<80x128xi32, #tpu.memory_space<vmem>>, %arg7: memref<128xf32, #tpu.memory_space<vmem>>, %arg8: memref<10240xf32, #tpu.memory_space<vmem_shared>>, %arg9: memref<!tpu.dma_semaphore, #tpu.memory_space<semaphore_mem>>) attributes {dimension_semantics = [#tpu.dimension_semantics<core_parallel>, #tpu.dimension_semantics<subcore_parallel>], iteration_bounds = array<i64: 2, 16>, scalar_prefetch = 0 : i64, scratch_operands = 4 : i64, tpu.core_type = #tpu.core_type<sc_vector_subcore>, window_params = [{transform_indices = #map}, {transform_indices = #map1}, {transform_indices = #map1}, {transform_indices = #map2}]} {
    %mul3A = arith.constant 640 : i32
    %mul3A_0 = arith.muli %arg1, %mul3A : i32
    "tpu.region"() ({
      %run_scoped3A = tpu.sem_alloc : memref<!tpu.dma_semaphore, #tpu.memory_space<semaphore_mem>>
      %dma_start3A = tpu.memref_slice %arg8[%mul3A_0] : memref<10240xf32, #tpu.memory_space<vmem_shared>> -> memref<640xf32, #tpu.memory_space<vmem_shared>>
      tpu.enqueue_dma source(%arg3 : memref<640xf32, #tpu.memory_space<hbm>>) target(%dma_start3A : memref<640xf32, #tpu.memory_space<vmem_shared>>) target_semaphore(%run_scoped3A : memref<!tpu.dma_semaphore, #tpu.memory_space<semaphore_mem>>)
      %dma_wait3A = tpu.memref_slice %arg8[%mul3A_0] : memref<10240xf32, #tpu.memory_space<vmem_shared>> -> memref<640xf32, #tpu.memory_space<vmem_shared>>
      tpu.wait_dma2 semaphore(%run_scoped3A : memref<!tpu.dma_semaphore, #tpu.memory_space<semaphore_mem>>) src(%arg3 : memref<640xf32, #tpu.memory_space<hbm>>) dst(%dma_wait3A : memref<640xf32, #tpu.memory_space<vmem_shared>>)
      tpu.yield
    }) : () -> ()
    "tpu.region"() ({
      %run_scoped3A = tpu.sem_alloc : memref<!tpu.dma_semaphore, #tpu.memory_space<semaphore_mem>>
      %dma_start3A = arith.constant 0 : i32
      %dma_start3A_7 = arith.constant 0 : i32
      %dma_start3A_8 = tpu.memref_slice %arg2[%arg0, %arg1, %dma_start3A, %dma_start3A_7] : memref<2x16x80x128xi32, #tpu.memory_space<hbm>> -> memref<1x1x80x128xi32, #tpu.memory_space<hbm>>
      %dma_start3A_9 = tpu.memref_squeeze %dma_start3A_8 : memref<1x1x80x128xi32, #tpu.memory_space<hbm>> -> memref<80x128xi32, #tpu.memory_space<hbm>>
      %dma_start3A_10 = arith.constant 0 : i32
      %dma_start3A_11 = arith.constant 0 : i32
      %dma_start3A_12 = tpu.memref_slice %arg2[%arg0, %arg1, %dma_start3A_10, %dma_start3A_11] : memref<2x16x80x128xi32, #tpu.memory_space<hbm>> -> memref<1x1x80x128xi32, #tpu.memory_space<hbm>>
      %dma_start3A_13 = tpu.memref_squeeze %dma_start3A_12 : memref<1x1x80x128xi32, #tpu.memory_space<hbm>> -> memref<80x128xi32, #tpu.memory_space<hbm>>
      tpu.enqueue_dma source(%dma_start3A_13 : memref<80x128xi32, #tpu.memory_space<hbm>>) target(%arg6 : memref<80x128xi32, #tpu.memory_space<vmem>>) target_semaphore(%run_scoped3A : memref<!tpu.dma_semaphore, #tpu.memory_space<semaphore_mem>>)
      %dma_wait3A = arith.constant 0 : i32
      %dma_wait3A_14 = arith.constant 0 : i32
      %dma_wait3A_15 = tpu.memref_slice %arg2[%arg0, %arg1, %dma_wait3A, %dma_wait3A_14] : memref<2x16x80x128xi32, #tpu.memory_space<hbm>> -> memref<1x1x80x128xi32, #tpu.memory_space<hbm>>
      %dma_wait3A_16 = tpu.memref_squeeze %dma_wait3A_15 : memref<1x1x80x128xi32, #tpu.memory_space<hbm>> -> memref<80x128xi32, #tpu.memory_space<hbm>>
      %dma_wait3A_17 = arith.constant 0 : i32
      %dma_wait3A_18 = arith.constant 0 : i32
      %dma_wait3A_19 = tpu.memref_slice %arg2[%arg0, %arg1, %dma_wait3A_17, %dma_wait3A_18] : memref<2x16x80x128xi32, #tpu.memory_space<hbm>> -> memref<1x1x80x128xi32, #tpu.memory_space<hbm>>
      %dma_wait3A_20 = tpu.memref_squeeze %dma_wait3A_19 : memref<1x1x80x128xi32, #tpu.memory_space<hbm>> -> memref<80x128xi32, #tpu.memory_space<hbm>>
      tpu.wait_dma2 semaphore(%run_scoped3A : memref<!tpu.dma_semaphore, #tpu.memory_space<semaphore_mem>>) src(%dma_wait3A_20 : memref<80x128xi32, #tpu.memory_space<hbm>>) dst(%arg6 : memref<80x128xi32, #tpu.memory_space<vmem>>)
      tpu.yield
    }) : () -> ()
    "tpu.region"() ({
      %run_scoped3A = tpu.sem_alloc : memref<!tpu.dma_semaphore, #tpu.memory_space<semaphore_mem>>
      tpu.enqueue_dma source(%arg4 : memref<128xf32, #tpu.memory_space<hbm>>) target(%arg7 : memref<128xf32, #tpu.memory_space<vmem>>) target_semaphore(%run_scoped3A : memref<!tpu.dma_semaphore, #tpu.memory_space<semaphore_mem>>)
      tpu.wait_dma2 semaphore(%run_scoped3A : memref<!tpu.dma_semaphore, #tpu.memory_space<semaphore_mem>>) src(%arg4 : memref<128xf32, #tpu.memory_space<hbm>>) dst(%arg7 : memref<128xf32, #tpu.memory_space<vmem>>)
      tpu.yield
    }) : () -> ()
    %barrier3A = arith.constant 0 : index
    tpu.barrier barrier_id(%barrier3A)
    %scan3A = arith.constant 0 : i32
    %scan3A_1 = arith.constant 0 : i32
    %scan3A_2 = arith.constant 10 : i32
    %scan3A_3 = arith.addi %scan3A_1, %scan3A_2 : i32
    %scan3A_4 = arith.constant 1 : i32
    scf.for %scan3A_7 = %scan3A_1 to %scan3A_3 step %scan3A_4  : i32 {
      %scan3A_8 = arith.constant 0 : i32
      %scan3A_9 = arith.constant 0 : i32
      %scan3A_10 = arith.constant 8 : i32
      %scan3A_11 = arith.addi %scan3A_9, %scan3A_10 : i32
      %scan3A_12 = arith.constant 1 : i32
      scf.for %scan3A_20 = %scan3A_9 to %scan3A_11 step %scan3A_12  : i32 {
        %mul3A_21 = arith.constant 8 : i32
        %mul3A_22 = arith.muli %scan3A_7, %mul3A_21 : i32
        %add3A = arith.addi %mul3A_22, %scan3A_20 : i32
        %dma_start3A = arith.constant 0 : i32
        %dma_start3A_23 = tpu.memref_slice %arg6[%add3A, %dma_start3A] : memref<80x128xi32, #tpu.memory_space<vmem>> -> memref<1x128xi32, #tpu.memory_space<vmem>>
        %dma_start3A_24 = tpu.memref_squeeze %dma_start3A_23 : memref<1x128xi32, #tpu.memory_space<vmem>> -> memref<128xi32, #tpu.memory_space<vmem>>
        %dma_start3A_25 = arith.constant 0 : i32
        %dma_start3A_26 = tpu.memref_slice %arg8[%dma_start3A_25] : memref<10240xf32, #tpu.memory_space<vmem_shared>> -> memref<10240xf32, #tpu.memory_space<vmem_shared>>
        tpu.enqueue_indirect_dma source(%arg7 : memref<128xf32, #tpu.memory_space<vmem>>) target(%dma_start3A_26 : memref<10240xf32, #tpu.memory_space<vmem_shared>>) offsets(%dma_start3A_24 : memref<128xi32, #tpu.memory_space<vmem>>) semaphore(%arg9 : memref<!tpu.dma_semaphore, #tpu.memory_space<semaphore_mem>>) {add = true}
      }
      %scan3A_13 = arith.constant 8 : i32
      %scan3A_14 = arith.constant 0 : i32
      %scan3A_15 = arith.constant 0 : i32
      %scan3A_16 = arith.constant 8 : i32
      %scan3A_17 = arith.addi %scan3A_15, %scan3A_16 : i32
      %scan3A_18 = arith.constant 1 : i32
      scf.for %scan3A_20 = %scan3A_15 to %scan3A_17 step %scan3A_18  : i32 {
        %dma_wait3A = arith.constant 0 : i32
        %dma_wait3A_21 = arith.constant 0 : i32
        %dma_wait3A_22 = tpu.memref_slice %arg6[%dma_wait3A, %dma_wait3A_21] : memref<80x128xi32, #tpu.memory_space<vmem>> -> memref<1x128xi32, #tpu.memory_space<vmem>>
        %dma_wait3A_23 = tpu.memref_squeeze %dma_wait3A_22 : memref<1x128xi32, #tpu.memory_space<vmem>> -> memref<128xi32, #tpu.memory_space<vmem>>
        %dma_wait3A_24 = arith.constant 0 : i32
        %dma_wait3A_25 = tpu.memref_slice %arg8[%dma_wait3A_24] : memref<10240xf32, #tpu.memory_space<vmem_shared>> -> memref<10240xf32, #tpu.memory_space<vmem_shared>>
        tpu.wait_indirect_dma semaphore(%arg9 : memref<!tpu.dma_semaphore, #tpu.memory_space<semaphore_mem>>) src(%arg7 : memref<128xf32, #tpu.memory_space<vmem>>) dst(%dma_wait3A_25 : memref<10240xf32, #tpu.memory_space<vmem_shared>>)
      }
      %scan3A_19 = arith.constant 8 : i32
    }
    %scan3A_5 = arith.constant 10 : i32
    %barrier3A_6 = arith.constant 0 : index
    tpu.barrier barrier_id(%barrier3A_6)
    "tpu.region"() ({
      %run_scoped3A = tpu.sem_alloc : memref<!tpu.dma_semaphore, #tpu.memory_space<semaphore_mem>>
      %dma_start3A = tpu.memref_slice %arg5[%arg0, %mul3A_0] : memref<2x10240xf32, #tpu.memory_space<hbm>> -> memref<1x640xf32, #tpu.memory_space<hbm>>
      %dma_start3A_7 = tpu.memref_squeeze %dma_start3A : memref<1x640xf32, #tpu.memory_space<hbm>> -> memref<640xf32, #tpu.memory_space<hbm>>
      %dma_start3A_8 = tpu.memref_slice %arg8[%mul3A_0] : memref<10240xf32, #tpu.memory_space<vmem_shared>> -> memref<640xf32, #tpu.memory_space<vmem_shared>>
      tpu.enqueue_dma source(%dma_start3A_8 : memref<640xf32, #tpu.memory_space<vmem_shared>>) target(%dma_start3A_7 : memref<640xf32, #tpu.memory_space<hbm>>) target_semaphore(%run_scoped3A : memref<!tpu.dma_semaphore, #tpu.memory_space<semaphore_mem>>)
      %dma_wait3A = tpu.memref_slice %arg5[%arg0, %mul3A_0] : memref<2x10240xf32, #tpu.memory_space<hbm>> -> memref<1x640xf32, #tpu.memory_space<hbm>>
      %dma_wait3A_9 = tpu.memref_squeeze %dma_wait3A : memref<1x640xf32, #tpu.memory_space<hbm>> -> memref<640xf32, #tpu.memory_space<hbm>>
      %dma_wait3A_10 = tpu.memref_slice %arg8[%mul3A_0] : memref<10240xf32, #tpu.memory_space<vmem_shared>> -> memref<640xf32, #tpu.memory_space<vmem_shared>>
      tpu.wait_dma2 semaphore(%run_scoped3A : memref<!tpu.dma_semaphore, #tpu.memory_space<semaphore_mem>>) src(%dma_wait3A_10 : memref<640xf32, #tpu.memory_space<vmem_shared>>) dst(%dma_wait3A_9 : memref<640xf32, #tpu.memory_space<hbm>>)
      tpu.yield
    }) : () -> ()
    return
  }
}

#map = affine_map<(d0, d1) -> (0, 0, 0, 0)>
#map1 = affine_map<(d0, d1) -> (0, 0)>
#map2 = affine_map<(d0, d1) -> (0, 0, 0)>
module attributes {stable_mosaic.version = 14 : i64} {
  func.func @_scat_body(%arg0: i32, %arg1: i32, %arg2: memref<2x16x80x128xi32, #tpu.memory_space<hbm>>, %arg3: memref<2x16x80x128xi32, #tpu.memory_space<hbm>>, %arg4: memref<10240x128xf32, #tpu.memory_space<hbm>>, %arg5: memref<640x128xf32, #tpu.memory_space<hbm>>, %arg6: memref<2x10240x128xf32, #tpu.memory_space<hbm>>, %arg7: memref<3x2x128xi32, #tpu.memory_space<vmem>>, %arg8: memref<2x128x128xf32, #tpu.memory_space<vmem>>, %arg9: memref<10240x128xf32, #tpu.memory_space<vmem_shared>>, %arg10: memref<!tpu.dma_semaphore, #tpu.memory_space<semaphore_mem>>, %arg11: memref<!tpu.dma_semaphore, #tpu.memory_space<semaphore_mem>>, %arg12: memref<!tpu.dma_semaphore, #tpu.memory_space<semaphore_mem>>, %arg13: memref<!tpu.dma_semaphore, #tpu.memory_space<semaphore_mem>>) attributes {dimension_semantics = [#tpu.dimension_semantics<core_parallel>, #tpu.dimension_semantics<subcore_parallel>], iteration_bounds = array<i64: 2, 16>, scalar_prefetch = 0 : i64, scratch_operands = 7 : i64, tpu.core_type = #tpu.core_type<sc_vector_subcore>, window_params = [{transform_indices = #map}, {transform_indices = #map}, {transform_indices = #map1}, {transform_indices = #map1}, {transform_indices = #map2}]} {
    %mul3A = arith.constant 640 : i32
    %mul3A_0 = arith.muli %arg1, %mul3A : i32
    %eq3A = arith.constant 0 : i32
    %eq3A_1 = arith.cmpi eq, %arg0, %eq3A : i32
    %convert_element_type3A = arith.extui %eq3A_1 : i1 to i32
    %cond3A = arith.constant 0 : i32
    %cond3A_2 = arith.cmpi ne, %convert_element_type3A, %cond3A : i32
    scf.if %cond3A_2 {
      "tpu.region"() ({
        %run_scoped3A = tpu.sem_alloc : memref<!tpu.dma_semaphore, #tpu.memory_space<semaphore_mem>>
        %dma_start3A = arith.constant 0 : i32
        %dma_start3A_14 = tpu.memref_slice %arg9[%mul3A_0, %dma_start3A] : memref<10240x128xf32, #tpu.memory_space<vmem_shared>> -> memref<640x128xf32, #tpu.memory_space<vmem_shared>>
        %dma_start3A_15 = arith.constant 0 : i32
        %dma_start3A_16 = tpu.memref_slice %arg4[%mul3A_0, %dma_start3A_15] : memref<10240x128xf32, #tpu.memory_space<hbm>> -> memref<640x128xf32, #tpu.memory_space<hbm>>
        tpu.enqueue_dma source(%dma_start3A_16 : memref<640x128xf32, #tpu.memory_space<hbm>>) target(%dma_start3A_14 : memref<640x128xf32, #tpu.memory_space<vmem_shared>>) target_semaphore(%run_scoped3A : memref<!tpu.dma_semaphore, #tpu.memory_space<semaphore_mem>>)
        %dma_wait3A = arith.constant 0 : i32
        %dma_wait3A_17 = tpu.memref_slice %arg9[%mul3A_0, %dma_wait3A] : memref<10240x128xf32, #tpu.memory_space<vmem_shared>> -> memref<640x128xf32, #tpu.memory_space<vmem_shared>>
        %dma_wait3A_18 = arith.constant 0 : i32
        %dma_wait3A_19 = tpu.memref_slice %arg4[%mul3A_0, %dma_wait3A_18] : memref<10240x128xf32, #tpu.memory_space<hbm>> -> memref<640x128xf32, #tpu.memory_space<hbm>>
        tpu.wait_dma2 semaphore(%run_scoped3A : memref<!tpu.dma_semaphore, #tpu.memory_space<semaphore_mem>>) src(%dma_wait3A_19 : memref<640x128xf32, #tpu.memory_space<hbm>>) dst(%dma_wait3A_17 : memref<640x128xf32, #tpu.memory_space<vmem_shared>>)
        tpu.yield
      }) : () -> ()
    } else {
    }
    %eq3A_3 = arith.constant 1 : i32
    %eq3A_4 = arith.cmpi eq, %arg0, %eq3A_3 : i32
    %convert_element_type3A_5 = arith.extui %eq3A_4 : i1 to i32
    %cond3A_6 = arith.constant 0 : i32
    %cond3A_7 = arith.cmpi ne, %convert_element_type3A_5, %cond3A_6 : i32
    scf.if %cond3A_7 {
      "tpu.region"() ({
        %run_scoped3A = tpu.sem_alloc : memref<!tpu.dma_semaphore, #tpu.memory_space<semaphore_mem>>
        %dma_start3A = arith.constant 0 : i32
        %dma_start3A_14 = tpu.memref_slice %arg9[%mul3A_0, %dma_start3A] : memref<10240x128xf32, #tpu.memory_space<vmem_shared>> -> memref<640x128xf32, #tpu.memory_space<vmem_shared>>
        tpu.enqueue_dma source(%arg5 : memref<640x128xf32, #tpu.memory_space<hbm>>) target(%dma_start3A_14 : memref<640x128xf32, #tpu.memory_space<vmem_shared>>) target_semaphore(%run_scoped3A : memref<!tpu.dma_semaphore, #tpu.memory_space<semaphore_mem>>)
        %dma_wait3A = arith.constant 0 : i32
        %dma_wait3A_15 = tpu.memref_slice %arg9[%mul3A_0, %dma_wait3A] : memref<10240x128xf32, #tpu.memory_space<vmem_shared>> -> memref<640x128xf32, #tpu.memory_space<vmem_shared>>
        tpu.wait_dma2 semaphore(%run_scoped3A : memref<!tpu.dma_semaphore, #tpu.memory_space<semaphore_mem>>) src(%arg5 : memref<640x128xf32, #tpu.memory_space<hbm>>) dst(%dma_wait3A_15 : memref<640x128xf32, #tpu.memory_space<vmem_shared>>)
        tpu.yield
      }) : () -> ()
    } else {
    }
    %barrier3A = arith.constant 0 : index
    tpu.barrier barrier_id(%barrier3A)
    %scan3A = arith.constant 0 : i32
    %scan3A_8 = arith.constant 0 : i32
    %scan3A_9 = arith.constant 82 : i32
    %scan3A_10 = arith.addi %scan3A_8, %scan3A_9 : i32
    %scan3A_11 = arith.constant 1 : i32
    scf.for %scan3A_14 = %scan3A_8 to %scan3A_10 step %scan3A_11  : i32 {
      %rem3A = arith.constant 3 : i32
      %rem3A_15 = arith.remsi %scan3A_14, %rem3A : i32
      %rem3A_16 = arith.constant 2 : i32
      %rem3A_17 = arith.remsi %scan3A_14, %rem3A_16 : i32
      %lt3A = arith.constant 80 : i32
      %lt3A_18 = arith.cmpi slt, %scan3A_14, %lt3A : i32
      %convert_element_type3A_19 = arith.extui %lt3A_18 : i1 to i32
      %cond3A_20 = arith.constant 0 : i32
      %cond3A_21 = arith.cmpi ne, %convert_element_type3A_19, %cond3A_20 : i32
      scf.if %cond3A_21 {
        %eq3A_32 = arith.constant 0 : i32
        %eq3A_33 = arith.cmpi eq, %rem3A_17, %eq3A_32 : i32
        %convert_element_type3A_34 = arith.extui %eq3A_33 : i1 to i32
        %cond3A_35 = arith.constant 0 : i32
        %cond3A_36 = arith.cmpi ne, %convert_element_type3A_34, %cond3A_35 : i32
        scf.if %cond3A_36 {
          %dma_start3A = arith.constant 0 : i32
          %dma_start3A_42 = arith.constant 0 : i32
          %dma_start3A_43 = tpu.memref_slice %arg7[%rem3A_15, %dma_start3A, %dma_start3A_42] : memref<3x2x128xi32, #tpu.memory_space<vmem>> -> memref<1x1x128xi32, #tpu.memory_space<vmem>>
          %dma_start3A_44 = tpu.memref_squeeze %dma_start3A_43 : memref<1x1x128xi32, #tpu.memory_space<vmem>> -> memref<128xi32, #tpu.memory_space<vmem>>
          %dma_start3A_45 = arith.constant 0 : i32
          %dma_start3A_46 = tpu.memref_slice %arg2[%arg0, %arg1, %scan3A_14, %dma_start3A_45] : memref<2x16x80x128xi32, #tpu.memory_space<hbm>> -> memref<1x1x1x128xi32, #tpu.memory_space<hbm>>
          %dma_start3A_47 = tpu.memref_squeeze %dma_start3A_46 : memref<1x1x1x128xi32, #tpu.memory_space<hbm>> -> memref<128xi32, #tpu.memory_space<hbm>>
          %dma_start3A_48 = arith.constant 0 : i32
          %dma_start3A_49 = tpu.memref_slice %arg7[%rem3A_15, %dma_start3A, %dma_start3A_48] : memref<3x2x128xi32, #tpu.memory_space<vmem>> -> memref<1x1x128xi32, #tpu.memory_space<vmem>>
          %dma_start3A_50 = tpu.memref_squeeze %dma_start3A_49 : memref<1x1x128xi32, #tpu.memory_space<vmem>> -> memref<128xi32, #tpu.memory_space<vmem>>
          %dma_start3A_51 = arith.constant 0 : i32
          %dma_start3A_52 = tpu.memref_slice %arg2[%arg0, %arg1, %scan3A_14, %dma_start3A_51] : memref<2x16x80x128xi32, #tpu.memory_space<hbm>> -> memref<1x1x1x128xi32, #tpu.memory_space<hbm>>
          %dma_start3A_53 = tpu.memref_squeeze %dma_start3A_52 : memref<1x1x1x128xi32, #tpu.memory_space<hbm>> -> memref<128xi32, #tpu.memory_space<hbm>>
          tpu.enqueue_dma source(%dma_start3A_53 : memref<128xi32, #tpu.memory_space<hbm>>) target(%dma_start3A_50 : memref<128xi32, #tpu.memory_space<vmem>>) target_semaphore(%arg10 : memref<!tpu.dma_semaphore, #tpu.memory_space<semaphore_mem>>)
          %dma_start3A_54 = arith.constant 1 : i32
          %dma_start3A_55 = arith.constant 0 : i32
          %dma_start3A_56 = tpu.memref_slice %arg7[%rem3A_15, %dma_start3A_54, %dma_start3A_55] : memref<3x2x128xi32, #tpu.memory_space<vmem>> -> memref<1x1x128xi32, #tpu.memory_space<vmem>>
          %dma_start3A_57 = tpu.memref_squeeze %dma_start3A_56 : memref<1x1x128xi32, #tpu.memory_space<vmem>> -> memref<128xi32, #tpu.memory_space<vmem>>
          %dma_start3A_58 = arith.constant 0 : i32
          %dma_start3A_59 = tpu.memref_slice %arg3[%arg0, %arg1, %scan3A_14, %dma_start3A_58] : memref<2x16x80x128xi32, #tpu.memory_space<hbm>> -> memref<1x1x1x128xi32, #tpu.memory_space<hbm>>
          %dma_start3A_60 = tpu.memref_squeeze %dma_start3A_59 : memref<1x1x1x128xi32, #tpu.memory_space<hbm>> -> memref<128xi32, #tpu.memory_space<hbm>>
          %dma_start3A_61 = arith.constant 0 : i32
          %dma_start3A_62 = tpu.memref_slice %arg7[%rem3A_15, %dma_start3A_54, %dma_start3A_61] : memref<3x2x128xi32, #tpu.memory_space<vmem>> -> memref<1x1x128xi32, #tpu.memory_space<vmem>>
          %dma_start3A_63 = tpu.memref_squeeze %dma_start3A_62 : memref<1x1x128xi32, #tpu.memory_space<vmem>> -> memref<128xi32, #tpu.memory_space<vmem>>
          %dma_start3A_64 = arith.constant 0 : i32
          %dma_start3A_65 = tpu.memref_slice %arg3[%arg0, %arg1, %scan3A_14, %dma_start3A_64] : memref<2x16x80x128xi32, #tpu.memory_space<hbm>> -> memref<1x1x1x128xi32, #tpu.memory_space<hbm>>
          %dma_start3A_66 = tpu.memref_squeeze %dma_start3A_65 : memref<1x1x1x128xi32, #tpu.memory_space<hbm>> -> memref<128xi32, #tpu.memory_space<hbm>>
          tpu.enqueue_dma source(%dma_start3A_66 : memref<128xi32, #tpu.memory_space<hbm>>) target(%dma_start3A_63 : memref<128xi32, #tpu.memory_space<vmem>>) target_semaphore(%arg10 : memref<!tpu.dma_semaphore, #tpu.memory_space<semaphore_mem>>)
        } else {
        }
        %eq3A_37 = arith.constant 1 : i32
        %eq3A_38 = arith.cmpi eq, %rem3A_17, %eq3A_37 : i32
        %convert_element_type3A_39 = arith.extui %eq3A_38 : i1 to i32
        %cond3A_40 = arith.constant 0 : i32
        %cond3A_41 = arith.cmpi ne, %convert_element_type3A_39, %cond3A_40 : i32
        scf.if %cond3A_41 {
          %dma_start3A = arith.constant 0 : i32
          %dma_start3A_42 = arith.constant 0 : i32
          %dma_start3A_43 = tpu.memref_slice %arg7[%rem3A_15, %dma_start3A, %dma_start3A_42] : memref<3x2x128xi32, #tpu.memory_space<vmem>> -> memref<1x1x128xi32, #tpu.memory_space<vmem>>
          %dma_start3A_44 = tpu.memref_squeeze %dma_start3A_43 : memref<1x1x128xi32, #tpu.memory_space<vmem>> -> memref<128xi32, #tpu.memory_space<vmem>>
          %dma_start3A_45 = arith.constant 0 : i32
          %dma_start3A_46 = tpu.memref_slice %arg2[%arg0, %arg1, %scan3A_14, %dma_start3A_45] : memref<2x16x80x128xi32, #tpu.memory_space<hbm>> -> memref<1x1x1x128xi32, #tpu.memory_space<hbm>>
          %dma_start3A_47 = tpu.memref_squeeze %dma_start3A_46 : memref<1x1x1x128xi32, #tpu.memory_space<hbm>> -> memref<128xi32, #tpu.memory_space<hbm>>
          %dma_start3A_48 = arith.constant 0 : i32
          %dma_start3A_49 = tpu.memref_slice %arg7[%rem3A_15, %dma_start3A, %dma_start3A_48] : memref<3x2x128xi32, #tpu.memory_space<vmem>> -> memref<1x1x128xi32, #tpu.memory_space<vmem>>
          %dma_start3A_50 = tpu.memref_squeeze %dma_start3A_49 : memref<1x1x128xi32, #tpu.memory_space<vmem>> -> memref<128xi32, #tpu.memory_space<vmem>>
          %dma_start3A_51 = arith.constant 0 : i32
          %dma_start3A_52 = tpu.memref_slice %arg2[%arg0, %arg1, %scan3A_14, %dma_start3A_51] : memref<2x16x80x128xi32, #tpu.memory_space<hbm>> -> memref<1x1x1x128xi32, #tpu.memory_space<hbm>>
          %dma_start3A_53 = tpu.memref_squeeze %dma_start3A_52 : memref<1x1x1x128xi32, #tpu.memory_space<hbm>> -> memref<128xi32, #tpu.memory_space<hbm>>
          tpu.enqueue_dma source(%dma_start3A_53 : memref<128xi32, #tpu.memory_space<hbm>>) target(%dma_start3A_50 : memref<128xi32, #tpu.memory_space<vmem>>) target_semaphore(%arg11 : memref<!tpu.dma_semaphore, #tpu.memory_space<semaphore_mem>>)
          %dma_start3A_54 = arith.constant 1 : i32
          %dma_start3A_55 = arith.constant 0 : i32
          %dma_start3A_56 = tpu.memref_slice %arg7[%rem3A_15, %dma_start3A_54, %dma_start3A_55] : memref<3x2x128xi32, #tpu.memory_space<vmem>> -> memref<1x1x128xi32, #tpu.memory_space<vmem>>
          %dma_start3A_57 = tpu.memref_squeeze %dma_start3A_56 : memref<1x1x128xi32, #tpu.memory_space<vmem>> -> memref<128xi32, #tpu.memory_space<vmem>>
          %dma_start3A_58 = arith.constant 0 : i32
          %dma_start3A_59 = tpu.memref_slice %arg3[%arg0, %arg1, %scan3A_14, %dma_start3A_58] : memref<2x16x80x128xi32, #tpu.memory_space<hbm>> -> memref<1x1x1x128xi32, #tpu.memory_space<hbm>>
          %dma_start3A_60 = tpu.memref_squeeze %dma_start3A_59 : memref<1x1x1x128xi32, #tpu.memory_space<hbm>> -> memref<128xi32, #tpu.memory_space<hbm>>
          %dma_start3A_61 = arith.constant 0 : i32
          %dma_start3A_62 = tpu.memref_slice %arg7[%rem3A_15, %dma_start3A_54, %dma_start3A_61] : memref<3x2x128xi32, #tpu.memory_space<vmem>> -> memref<1x1x128xi32, #tpu.memory_space<vmem>>
          %dma_start3A_63 = tpu.memref_squeeze %dma_start3A_62 : memref<1x1x128xi32, #tpu.memory_space<vmem>> -> memref<128xi32, #tpu.memory_space<vmem>>
          %dma_start3A_64 = arith.constant 0 : i32
          %dma_start3A_65 = tpu.memref_slice %arg3[%arg0, %arg1, %scan3A_14, %dma_start3A_64] : memref<2x16x80x128xi32, #tpu.memory_space<hbm>> -> memref<1x1x1x128xi32, #tpu.memory_space<hbm>>
          %dma_start3A_66 = tpu.memref_squeeze %dma_start3A_65 : memref<1x1x1x128xi32, #tpu.memory_space<hbm>> -> memref<128xi32, #tpu.memory_space<hbm>>
          tpu.enqueue_dma source(%dma_start3A_66 : memref<128xi32, #tpu.memory_space<hbm>>) target(%dma_start3A_63 : memref<128xi32, #tpu.memory_space<vmem>>) target_semaphore(%arg11 : memref<!tpu.dma_semaphore, #tpu.memory_space<semaphore_mem>>)
        } else {
        }
      } else {
      }
      %ge3A = arith.constant 1 : i32
      %ge3A_22 = arith.cmpi sge, %scan3A_14, %ge3A : i32
      %le3A = arith.constant 80 : i32
      %le3A_23 = arith.cmpi sle, %scan3A_14, %le3A : i32
      %and3A = arith.andi %ge3A_22, %le3A_23 : i1
      %convert_element_type3A_24 = arith.extui %and3A : i1 to i32
      %cond3A_25 = arith.constant 0 : i32
      %cond3A_26 = arith.cmpi ne, %convert_element_type3A_24, %cond3A_25 : i32
      scf.if %cond3A_26 {
        %sub3A = arith.constant 1 : i32
        %sub3A_32 = arith.subi %scan3A_14, %sub3A : i32
        %rem3A_33 = arith.constant 3 : i32
        %rem3A_34 = arith.remsi %sub3A_32, %rem3A_33 : i32
        %rem3A_35 = arith.constant 2 : i32
        %rem3A_36 = arith.remsi %sub3A_32, %rem3A_35 : i32
        %eq3A_37 = arith.constant 0 : i32
        %eq3A_38 = arith.cmpi eq, %rem3A_36, %eq3A_37 : i32
        %convert_element_type3A_39 = arith.extui %eq3A_38 : i1 to i32
        %cond3A_40 = arith.constant 0 : i32
        %cond3A_41 = arith.cmpi ne, %convert_element_type3A_39, %cond3A_40 : i32
        scf.if %cond3A_41 {
          %dma_wait3A = arith.constant 0 : i32
          %dma_wait3A_57 = arith.constant 0 : i32
          %dma_wait3A_58 = arith.constant 0 : i32
          %dma_wait3A_59 = tpu.memref_slice %arg7[%rem3A_34, %dma_wait3A_57, %dma_wait3A_58] : memref<3x2x128xi32, #tpu.memory_space<vmem>> -> memref<1x1x128xi32, #tpu.memory_space<vmem>>
          %dma_wait3A_60 = tpu.memref_squeeze %dma_wait3A_59 : memref<1x1x128xi32, #tpu.memory_space<vmem>> -> memref<128xi32, #tpu.memory_space<vmem>>
          %dma_wait3A_61 = arith.constant 0 : i32
          %dma_wait3A_62 = tpu.memref_slice %arg2[%arg0, %arg1, %dma_wait3A, %dma_wait3A_61] : memref<2x16x80x128xi32, #tpu.memory_space<hbm>> -> memref<1x1x1x128xi32, #tpu.memory_space<hbm>>
          %dma_wait3A_63 = tpu.memref_squeeze %dma_wait3A_62 : memref<1x1x1x128xi32, #tpu.memory_space<hbm>> -> memref<128xi32, #tpu.memory_space<hbm>>
          %dma_wait3A_64 = arith.constant 0 : i32
          %dma_wait3A_65 = tpu.memref_slice %arg7[%rem3A_34, %dma_wait3A_57, %dma_wait3A_64] : memref<3x2x128xi32, #tpu.memory_space<vmem>> -> memref<1x1x128xi32, #tpu.memory_space<vmem>>
          %dma_wait3A_66 = tpu.memref_squeeze %dma_wait3A_65 : memref<1x1x128xi32, #tpu.memory_space<vmem>> -> memref<128xi32, #tpu.memory_space<vmem>>
          %dma_wait3A_67 = arith.constant 0 : i32
          %dma_wait3A_68 = tpu.memref_slice %arg2[%arg0, %arg1, %dma_wait3A, %dma_wait3A_67] : memref<2x16x80x128xi32, #tpu.memory_space<hbm>> -> memref<1x1x1x128xi32, #tpu.memory_space<hbm>>
          %dma_wait3A_69 = tpu.memref_squeeze %dma_wait3A_68 : memref<1x1x1x128xi32, #tpu.memory_space<hbm>> -> memref<128xi32, #tpu.memory_space<hbm>>
          tpu.wait_dma2 semaphore(%arg10 : memref<!tpu.dma_semaphore, #tpu.memory_space<semaphore_mem>>) src(%dma_wait3A_69 : memref<128xi32, #tpu.memory_space<hbm>>) dst(%dma_wait3A_66 : memref<128xi32, #tpu.memory_space<vmem>>)
          %dma_wait3A_70 = arith.constant 0 : i32
          %dma_wait3A_71 = arith.constant 1 : i32
          %dma_wait3A_72 = arith.constant 0 : i32
          %dma_wait3A_73 = tpu.memref_slice %arg7[%rem3A_34, %dma_wait3A_71, %dma_wait3A_72] : memref<3x2x128xi32, #tpu.memory_space<vmem>> -> memref<1x1x128xi32, #tpu.memory_space<vmem>>
          %dma_wait3A_74 = tpu.memref_squeeze %dma_wait3A_73 : memref<1x1x128xi32, #tpu.memory_space<vmem>> -> memref<128xi32, #tpu.memory_space<vmem>>
          %dma_wait3A_75 = arith.constant 0 : i32
          %dma_wait3A_76 = tpu.memref_slice %arg3[%arg0, %arg1, %dma_wait3A_70, %dma_wait3A_75] : memref<2x16x80x128xi32, #tpu.memory_space<hbm>> -> memref<1x1x1x128xi32, #tpu.memory_space<hbm>>
          %dma_wait3A_77 = tpu.memref_squeeze %dma_wait3A_76 : memref<1x1x1x128xi32, #tpu.memory_space<hbm>> -> memref<128xi32, #tpu.memory_space<hbm>>
          %dma_wait3A_78 = arith.constant 0 : i32
          %dma_wait3A_79 = tpu.memref_slice %arg7[%rem3A_34, %dma_wait3A_71, %dma_wait3A_78] : memref<3x2x128xi32, #tpu.memory_space<vmem>> -> memref<1x1x128xi32, #tpu.memory_space<vmem>>
          %dma_wait3A_80 = tpu.memref_squeeze %dma_wait3A_79 : memref<1x1x128xi32, #tpu.memory_space<vmem>> -> memref<128xi32, #tpu.memory_space<vmem>>
          %dma_wait3A_81 = arith.constant 0 : i32
          %dma_wait3A_82 = tpu.memref_slice %arg3[%arg0, %arg1, %dma_wait3A_70, %dma_wait3A_81] : memref<2x16x80x128xi32, #tpu.memory_space<hbm>> -> memref<1x1x1x128xi32, #tpu.memory_space<hbm>>
          %dma_wait3A_83 = tpu.memref_squeeze %dma_wait3A_82 : memref<1x1x1x128xi32, #tpu.memory_space<hbm>> -> memref<128xi32, #tpu.memory_space<hbm>>
          tpu.wait_dma2 semaphore(%arg10 : memref<!tpu.dma_semaphore, #tpu.memory_space<semaphore_mem>>) src(%dma_wait3A_83 : memref<128xi32, #tpu.memory_space<hbm>>) dst(%dma_wait3A_80 : memref<128xi32, #tpu.memory_space<vmem>>)
        } else {
        }
        %eq3A_42 = arith.constant 1 : i32
        %eq3A_43 = arith.cmpi eq, %rem3A_36, %eq3A_42 : i32
        %convert_element_type3A_44 = arith.extui %eq3A_43 : i1 to i32
        %cond3A_45 = arith.constant 0 : i32
        %cond3A_46 = arith.cmpi ne, %convert_element_type3A_44, %cond3A_45 : i32
        scf.if %cond3A_46 {
          %dma_wait3A = arith.constant 0 : i32
          %dma_wait3A_57 = arith.constant 0 : i32
          %dma_wait3A_58 = arith.constant 0 : i32
          %dma_wait3A_59 = tpu.memref_slice %arg7[%rem3A_34, %dma_wait3A_57, %dma_wait3A_58] : memref<3x2x128xi32, #tpu.memory_space<vmem>> -> memref<1x1x128xi32, #tpu.memory_space<vmem>>
          %dma_wait3A_60 = tpu.memref_squeeze %dma_wait3A_59 : memref<1x1x128xi32, #tpu.memory_space<vmem>> -> memref<128xi32, #tpu.memory_space<vmem>>
          %dma_wait3A_61 = arith.constant 0 : i32
          %dma_wait3A_62 = tpu.memref_slice %arg2[%arg0, %arg1, %dma_wait3A, %dma_wait3A_61] : memref<2x16x80x128xi32, #tpu.memory_space<hbm>> -> memref<1x1x1x128xi32, #tpu.memory_space<hbm>>
          %dma_wait3A_63 = tpu.memref_squeeze %dma_wait3A_62 : memref<1x1x1x128xi32, #tpu.memory_space<hbm>> -> memref<128xi32, #tpu.memory_space<hbm>>
          %dma_wait3A_64 = arith.constant 0 : i32
          %dma_wait3A_65 = tpu.memref_slice %arg7[%rem3A_34, %dma_wait3A_57, %dma_wait3A_64] : memref<3x2x128xi32, #tpu.memory_space<vmem>> -> memref<1x1x128xi32, #tpu.memory_space<vmem>>
          %dma_wait3A_66 = tpu.memref_squeeze %dma_wait3A_65 : memref<1x1x128xi32, #tpu.memory_space<vmem>> -> memref<128xi32, #tpu.memory_space<vmem>>
          %dma_wait3A_67 = arith.constant 0 : i32
          %dma_wait3A_68 = tpu.memref_slice %arg2[%arg0, %arg1, %dma_wait3A, %dma_wait3A_67] : memref<2x16x80x128xi32, #tpu.memory_space<hbm>> -> memref<1x1x1x128xi32, #tpu.memory_space<hbm>>
          %dma_wait3A_69 = tpu.memref_squeeze %dma_wait3A_68 : memref<1x1x1x128xi32, #tpu.memory_space<hbm>> -> memref<128xi32, #tpu.memory_space<hbm>>
          tpu.wait_dma2 semaphore(%arg11 : memref<!tpu.dma_semaphore, #tpu.memory_space<semaphore_mem>>) src(%dma_wait3A_69 : memref<128xi32, #tpu.memory_space<hbm>>) dst(%dma_wait3A_66 : memref<128xi32, #tpu.memory_space<vmem>>)
          %dma_wait3A_70 = arith.constant 0 : i32
          %dma_wait3A_71 = arith.constant 1 : i32
          %dma_wait3A_72 = arith.constant 0 : i32
          %dma_wait3A_73 = tpu.memref_slice %arg7[%rem3A_34, %dma_wait3A_71, %dma_wait3A_72] : memref<3x2x128xi32, #tpu.memory_space<vmem>> -> memref<1x1x128xi32, #tpu.memory_space<vmem>>
          %dma_wait3A_74 = tpu.memref_squeeze %dma_wait3A_73 : memref<1x1x128xi32, #tpu.memory_space<vmem>> -> memref<128xi32, #tpu.memory_space<vmem>>
          %dma_wait3A_75 = arith.constant 0 : i32
          %dma_wait3A_76 = tpu.memref_slice %arg3[%arg0, %arg1, %dma_wait3A_70, %dma_wait3A_75] : memref<2x16x80x128xi32, #tpu.memory_space<hbm>> -> memref<1x1x1x128xi32, #tpu.memory_space<hbm>>
          %dma_wait3A_77 = tpu.memref_squeeze %dma_wait3A_76 : memref<1x1x1x128xi32, #tpu.memory_space<hbm>> -> memref<128xi32, #tpu.memory_space<hbm>>
          %dma_wait3A_78 = arith.constant 0 : i32
          %dma_wait3A_79 = tpu.memref_slice %arg7[%rem3A_34, %dma_wait3A_71, %dma_wait3A_78] : memref<3x2x128xi32, #tpu.memory_space<vmem>> -> memref<1x1x128xi32, #tpu.memory_space<vmem>>
          %dma_wait3A_80 = tpu.memref_squeeze %dma_wait3A_79 : memref<1x1x128xi32, #tpu.memory_space<vmem>> -> memref<128xi32, #tpu.memory_space<vmem>>
          %dma_wait3A_81 = arith.constant 0 : i32
          %dma_wait3A_82 = tpu.memref_slice %arg3[%arg0, %arg1, %dma_wait3A_70, %dma_wait3A_81] : memref<2x16x80x128xi32, #tpu.memory_space<hbm>> -> memref<1x1x1x128xi32, #tpu.memory_space<hbm>>
          %dma_wait3A_83 = tpu.memref_squeeze %dma_wait3A_82 : memref<1x1x1x128xi32, #tpu.memory_space<hbm>> -> memref<128xi32, #tpu.memory_space<hbm>>
          tpu.wait_dma2 semaphore(%arg11 : memref<!tpu.dma_semaphore, #tpu.memory_space<semaphore_mem>>) src(%dma_wait3A_83 : memref<128xi32, #tpu.memory_space<hbm>>) dst(%dma_wait3A_80 : memref<128xi32, #tpu.memory_space<vmem>>)
        } else {
        }
        %eq3A_47 = arith.constant 0 : i32
        %eq3A_48 = arith.cmpi eq, %rem3A_36, %eq3A_47 : i32
        %convert_element_type3A_49 = arith.extui %eq3A_48 : i1 to i32
        %cond3A_50 = arith.constant 0 : i32
        %cond3A_51 = arith.cmpi ne, %convert_element_type3A_49, %cond3A_50 : i32
        scf.if %cond3A_51 {
          %dma_start3A = arith.constant 0 : i32
          %dma_start3A_57 = arith.constant 0 : i32
          %dma_start3A_58 = arith.constant 0 : i32
          %dma_start3A_59 = tpu.memref_slice %arg8[%rem3A_36, %dma_start3A_57, %dma_start3A_58] : memref<2x128x128xf32, #tpu.memory_space<vmem>> -> memref<1x128x128xf32, #tpu.memory_space<vmem>>
          %dma_start3A_60 = tpu.memref_squeeze %dma_start3A_59 : memref<1x128x128xf32, #tpu.memory_space<vmem>> -> memref<128x128xf32, #tpu.memory_space<vmem>>
          %dma_start3A_61 = arith.constant 0 : i32
          %dma_start3A_62 = tpu.memref_slice %arg7[%rem3A_34, %dma_start3A, %dma_start3A_61] : memref<3x2x128xi32, #tpu.memory_space<vmem>> -> memref<1x1x128xi32, #tpu.memory_space<vmem>>
          %dma_start3A_63 = tpu.memref_squeeze %dma_start3A_62 : memref<1x1x128xi32, #tpu.memory_space<vmem>> -> memref<128xi32, #tpu.memory_space<vmem>>
          %dma_start3A_64 = arith.constant 0 : i32
          %dma_start3A_65 = arith.constant 0 : i32
          %dma_start3A_66 = tpu.memref_slice %arg4[%dma_start3A_64, %dma_start3A_65] : memref<10240x128xf32, #tpu.memory_space<hbm>> -> memref<10240x128xf32, #tpu.memory_space<hbm>>
          tpu.enqueue_indirect_dma source(%dma_start3A_66 : memref<10240x128xf32, #tpu.memory_space<hbm>>) target(%dma_start3A_60 : memref<128x128xf32, #tpu.memory_space<vmem>>) offsets(%dma_start3A_63 : memref<128xi32, #tpu.memory_space<vmem>>) semaphore(%arg12 : memref<!tpu.dma_semaphore, #tpu.memory_space<semaphore_mem>>)
        } else {
        }
        %eq3A_52 = arith.constant 1 : i32
        %eq3A_53 = arith.cmpi eq, %rem3A_36, %eq3A_52 : i32
        %convert_element_type3A_54 = arith.extui %eq3A_53 : i1 to i32
        %cond3A_55 = arith.constant 0 : i32
        %cond3A_56 = arith.cmpi ne, %convert_element_type3A_54, %cond3A_55 : i32
        scf.if %cond3A_56 {
          %dma_start3A = arith.constant 0 : i32
          %dma_start3A_57 = arith.constant 0 : i32
          %dma_start3A_58 = arith.constant 0 : i32
          %dma_start3A_59 = tpu.memref_slice %arg8[%rem3A_36, %dma_start3A_57, %dma_start3A_58] : memref<2x128x128xf32, #tpu.memory_space<vmem>> -> memref<1x128x128xf32, #tpu.memory_space<vmem>>
          %dma_start3A_60 = tpu.memref_squeeze %dma_start3A_59 : memref<1x128x128xf32, #tpu.memory_space<vmem>> -> memref<128x128xf32, #tpu.memory_space<vmem>>
          %dma_start3A_61 = arith.constant 0 : i32
          %dma_start3A_62 = tpu.memref_slice %arg7[%rem3A_34, %dma_start3A, %dma_start3A_61] : memref<3x2x128xi32, #tpu.memory_space<vmem>> -> memref<1x1x128xi32, #tpu.memory_space<vmem>>
          %dma_start3A_63 = tpu.memref_squeeze %dma_start3A_62 : memref<1x1x128xi32, #tpu.memory_space<vmem>> -> memref<128xi32, #tpu.memory_space<vmem>>
          %dma_start3A_64 = arith.constant 0 : i32
          %dma_start3A_65 = arith.constant 0 : i32
          %dma_start3A_66 = tpu.memref_slice %arg4[%dma_start3A_64, %dma_start3A_65] : memref<10240x128xf32, #tpu.memory_space<hbm>> -> memref<10240x128xf32, #tpu.memory_space<hbm>>
          tpu.enqueue_indirect_dma source(%dma_start3A_66 : memref<10240x128xf32, #tpu.memory_space<hbm>>) target(%dma_start3A_60 : memref<128x128xf32, #tpu.memory_space<vmem>>) offsets(%dma_start3A_63 : memref<128xi32, #tpu.memory_space<vmem>>) semaphore(%arg13 : memref<!tpu.dma_semaphore, #tpu.memory_space<semaphore_mem>>)
        } else {
        }
      } else {
      }
      %ge3A_27 = arith.constant 2 : i32
      %ge3A_28 = arith.cmpi sge, %scan3A_14, %ge3A_27 : i32
      %convert_element_type3A_29 = arith.extui %ge3A_28 : i1 to i32
      %cond3A_30 = arith.constant 0 : i32
      %cond3A_31 = arith.cmpi ne, %convert_element_type3A_29, %cond3A_30 : i32
      scf.if %cond3A_31 {
        %sub3A = arith.constant 2 : i32
        %sub3A_32 = arith.subi %scan3A_14, %sub3A : i32
        %rem3A_33 = arith.constant 3 : i32
        %rem3A_34 = arith.remsi %sub3A_32, %rem3A_33 : i32
        %rem3A_35 = arith.constant 2 : i32
        %rem3A_36 = arith.remsi %sub3A_32, %rem3A_35 : i32
        %eq3A_37 = arith.constant 0 : i32
        %eq3A_38 = arith.cmpi eq, %rem3A_36, %eq3A_37 : i32
        %convert_element_type3A_39 = arith.extui %eq3A_38 : i1 to i32
        %cond3A_40 = arith.constant 0 : i32
        %cond3A_41 = arith.cmpi ne, %convert_element_type3A_39, %cond3A_40 : i32
        scf.if %cond3A_41 {
          %dma_wait3A = arith.constant 0 : i32
          %dma_wait3A_47 = arith.constant 0 : i32
          %dma_wait3A_48 = arith.constant 0 : i32
          %dma_wait3A_49 = tpu.memref_slice %arg8[%rem3A_36, %dma_wait3A_47, %dma_wait3A_48] : memref<2x128x128xf32, #tpu.memory_space<vmem>> -> memref<1x128x128xf32, #tpu.memory_space<vmem>>
          %dma_wait3A_50 = tpu.memref_squeeze %dma_wait3A_49 : memref<1x128x128xf32, #tpu.memory_space<vmem>> -> memref<128x128xf32, #tpu.memory_space<vmem>>
          %dma_wait3A_51 = arith.constant 0 : i32
          %dma_wait3A_52 = tpu.memref_slice %arg7[%rem3A_34, %dma_wait3A, %dma_wait3A_51] : memref<3x2x128xi32, #tpu.memory_space<vmem>> -> memref<1x1x128xi32, #tpu.memory_space<vmem>>
          %dma_wait3A_53 = tpu.memref_squeeze %dma_wait3A_52 : memref<1x1x128xi32, #tpu.memory_space<vmem>> -> memref<128xi32, #tpu.memory_space<vmem>>
          %dma_wait3A_54 = arith.constant 0 : i32
          %dma_wait3A_55 = arith.constant 0 : i32
          %dma_wait3A_56 = tpu.memref_slice %arg4[%dma_wait3A_54, %dma_wait3A_55] : memref<10240x128xf32, #tpu.memory_space<hbm>> -> memref<10240x128xf32, #tpu.memory_space<hbm>>
          tpu.wait_indirect_dma semaphore(%arg12 : memref<!tpu.dma_semaphore, #tpu.memory_space<semaphore_mem>>) src(%dma_wait3A_56 : memref<10240x128xf32, #tpu.memory_space<hbm>>) dst(%dma_wait3A_50 : memref<128x128xf32, #tpu.memory_space<vmem>>)
        } else {
        }
        %eq3A_42 = arith.constant 1 : i32
        %eq3A_43 = arith.cmpi eq, %rem3A_36, %eq3A_42 : i32
        %convert_element_type3A_44 = arith.extui %eq3A_43 : i1 to i32
        %cond3A_45 = arith.constant 0 : i32
        %cond3A_46 = arith.cmpi ne, %convert_element_type3A_44, %cond3A_45 : i32
        scf.if %cond3A_46 {
          %dma_wait3A = arith.constant 0 : i32
          %dma_wait3A_47 = arith.constant 0 : i32
          %dma_wait3A_48 = arith.constant 0 : i32
          %dma_wait3A_49 = tpu.memref_slice %arg8[%rem3A_36, %dma_wait3A_47, %dma_wait3A_48] : memref<2x128x128xf32, #tpu.memory_space<vmem>> -> memref<1x128x128xf32, #tpu.memory_space<vmem>>
          %dma_wait3A_50 = tpu.memref_squeeze %dma_wait3A_49 : memref<1x128x128xf32, #tpu.memory_space<vmem>> -> memref<128x128xf32, #tpu.memory_space<vmem>>
          %dma_wait3A_51 = arith.constant 0 : i32
          %dma_wait3A_52 = tpu.memref_slice %arg7[%rem3A_34, %dma_wait3A, %dma_wait3A_51] : memref<3x2x128xi32, #tpu.memory_space<vmem>> -> memref<1x1x128xi32, #tpu.memory_space<vmem>>
          %dma_wait3A_53 = tpu.memref_squeeze %dma_wait3A_52 : memref<1x1x128xi32, #tpu.memory_space<vmem>> -> memref<128xi32, #tpu.memory_space<vmem>>
          %dma_wait3A_54 = arith.constant 0 : i32
          %dma_wait3A_55 = arith.constant 0 : i32
          %dma_wait3A_56 = tpu.memref_slice %arg4[%dma_wait3A_54, %dma_wait3A_55] : memref<10240x128xf32, #tpu.memory_space<hbm>> -> memref<10240x128xf32, #tpu.memory_space<hbm>>
          tpu.wait_indirect_dma semaphore(%arg13 : memref<!tpu.dma_semaphore, #tpu.memory_space<semaphore_mem>>) src(%dma_wait3A_56 : memref<10240x128xf32, #tpu.memory_space<hbm>>) dst(%dma_wait3A_50 : memref<128x128xf32, #tpu.memory_space<vmem>>)
        } else {
        }
        %run_scoped3A = arith.constant 1 : i32
        "tpu.region"() ({
          %run_scoped3A_47 = tpu.sem_alloc : memref<!tpu.dma_semaphore, #tpu.memory_space<semaphore_mem>>
          %dma_start3A = arith.constant 0 : i32
          %dma_start3A_48 = arith.constant 0 : i32
          %dma_start3A_49 = tpu.memref_slice %arg8[%rem3A_36, %dma_start3A, %dma_start3A_48] : memref<2x128x128xf32, #tpu.memory_space<vmem>> -> memref<1x128x128xf32, #tpu.memory_space<vmem>>
          %dma_start3A_50 = tpu.memref_squeeze %dma_start3A_49 : memref<1x128x128xf32, #tpu.memory_space<vmem>> -> memref<128x128xf32, #tpu.memory_space<vmem>>
          %dma_start3A_51 = arith.constant 0 : i32
          %dma_start3A_52 = tpu.memref_slice %arg7[%rem3A_34, %run_scoped3A, %dma_start3A_51] : memref<3x2x128xi32, #tpu.memory_space<vmem>> -> memref<1x1x128xi32, #tpu.memory_space<vmem>>
          %dma_start3A_53 = tpu.memref_squeeze %dma_start3A_52 : memref<1x1x128xi32, #tpu.memory_space<vmem>> -> memref<128xi32, #tpu.memory_space<vmem>>
          %dma_start3A_54 = arith.constant 0 : i32
          %dma_start3A_55 = arith.constant 0 : i32
          %dma_start3A_56 = tpu.memref_slice %arg9[%dma_start3A_54, %dma_start3A_55] : memref<10240x128xf32, #tpu.memory_space<vmem_shared>> -> memref<10240x128xf32, #tpu.memory_space<vmem_shared>>
          tpu.enqueue_indirect_dma source(%dma_start3A_50 : memref<128x128xf32, #tpu.memory_space<vmem>>) target(%dma_start3A_56 : memref<10240x128xf32, #tpu.memory_space<vmem_shared>>) offsets(%dma_start3A_53 : memref<128xi32, #tpu.memory_space<vmem>>) semaphore(%run_scoped3A_47 : memref<!tpu.dma_semaphore, #tpu.memory_space<semaphore_mem>>) {add = true}
          %dma_wait3A = arith.constant 0 : i32
          %dma_wait3A_57 = arith.constant 0 : i32
          %dma_wait3A_58 = tpu.memref_slice %arg8[%rem3A_36, %dma_wait3A, %dma_wait3A_57] : memref<2x128x128xf32, #tpu.memory_space<vmem>> -> memref<1x128x128xf32, #tpu.memory_space<vmem>>
          %dma_wait3A_59 = tpu.memref_squeeze %dma_wait3A_58 : memref<1x128x128xf32, #tpu.memory_space<vmem>> -> memref<128x128xf32, #tpu.memory_space<vmem>>
          %dma_wait3A_60 = arith.constant 0 : i32
          %dma_wait3A_61 = tpu.memref_slice %arg7[%rem3A_34, %run_scoped3A, %dma_wait3A_60] : memref<3x2x128xi32, #tpu.memory_space<vmem>> -> memref<1x1x128xi32, #tpu.memory_space<vmem>>
          %dma_wait3A_62 = tpu.memref_squeeze %dma_wait3A_61 : memref<1x1x128xi32, #tpu.memory_space<vmem>> -> memref<128xi32, #tpu.memory_space<vmem>>
          %dma_wait3A_63 = arith.constant 0 : i32
          %dma_wait3A_64 = arith.constant 0 : i32
          %dma_wait3A_65 = tpu.memref_slice %arg9[%dma_wait3A_63, %dma_wait3A_64] : memref<10240x128xf32, #tpu.memory_space<vmem_shared>> -> memref<10240x128xf32, #tpu.memory_space<vmem_shared>>
          tpu.wait_indirect_dma semaphore(%run_scoped3A_47 : memref<!tpu.dma_semaphore, #tpu.memory_space<semaphore_mem>>) src(%dma_wait3A_59 : memref<128x128xf32, #tpu.memory_space<vmem>>) dst(%dma_wait3A_65 : memref<10240x128xf32, #tpu.memory_space<vmem_shared>>)
          tpu.yield
        }) : () -> ()
      } else {
      }
    }
    %scan3A_12 = arith.constant 82 : i32
    %barrier3A_13 = arith.constant 0 : index
    tpu.barrier barrier_id(%barrier3A_13)
    "tpu.region"() ({
      %run_scoped3A = tpu.sem_alloc : memref<!tpu.dma_semaphore, #tpu.memory_space<semaphore_mem>>
      %dma_start3A = arith.constant 0 : i32
      %dma_start3A_14 = tpu.memref_slice %arg6[%arg0, %mul3A_0, %dma_start3A] : memref<2x10240x128xf32, #tpu.memory_space<hbm>> -> memref<1x640x128xf32, #tpu.memory_space<hbm>>
      %dma_start3A_15 = tpu.memref_squeeze %dma_start3A_14 : memref<1x640x128xf32, #tpu.memory_space<hbm>> -> memref<640x128xf32, #tpu.memory_space<hbm>>
      %dma_start3A_16 = arith.constant 0 : i32
      %dma_start3A_17 = tpu.memref_slice %arg9[%mul3A_0, %dma_start3A_16] : memref<10240x128xf32, #tpu.memory_space<vmem_shared>> -> memref<640x128xf32, #tpu.memory_space<vmem_shared>>
      tpu.enqueue_dma source(%dma_start3A_17 : memref<640x128xf32, #tpu.memory_space<vmem_shared>>) target(%dma_start3A_15 : memref<640x128xf32, #tpu.memory_space<hbm>>) target_semaphore(%run_scoped3A : memref<!tpu.dma_semaphore, #tpu.memory_space<semaphore_mem>>)
      %dma_wait3A = arith.constant 0 : i32
      %dma_wait3A_18 = tpu.memref_slice %arg6[%arg0, %mul3A_0, %dma_wait3A] : memref<2x10240x128xf32, #tpu.memory_space<hbm>> -> memref<1x640x128xf32, #tpu.memory_space<hbm>>
      %dma_wait3A_19 = tpu.memref_squeeze %dma_wait3A_18 : memref<1x640x128xf32, #tpu.memory_space<hbm>> -> memref<640x128xf32, #tpu.memory_space<hbm>>
      %dma_wait3A_20 = arith.constant 0 : i32
      %dma_wait3A_21 = tpu.memref_slice %arg9[%mul3A_0, %dma_wait3A_20] : memref<10240x128xf32, #tpu.memory_space<vmem_shared>> -> memref<640x128xf32, #tpu.memory_space<vmem_shared>>
      tpu.wait_dma2 semaphore(%run_scoped3A : memref<!tpu.dma_semaphore, #tpu.memory_space<semaphore_mem>>) src(%dma_wait3A_21 : memref<640x128xf32, #tpu.memory_space<vmem_shared>>) dst(%dma_wait3A_19 : memref<640x128xf32, #tpu.memory_space<hbm>>)
      tpu.yield
    }) : () -> ()
    return
  }
}

module attributes {stable_mosaic.version = 14 : i64} {
  func.func @_mm_body(%arg0: i32, %arg1: memref<1024x128xf32, #tpu.memory_space<vmem>>, %arg2: memref<128x128xf32, #tpu.memory_space<vmem>>, %arg3: memref<1024x128xf32, #tpu.memory_space<vmem>>) attributes {dimension_semantics = [#tpu.dimension_semantics<arbitrary>], iteration_bounds = array<i64: 10>, scalar_prefetch = 0 : i64, scratch_operands = 0 : i64, tpu.core_type = #tpu.core_type<tc>, window_params = [{transform_indices = @transform_0, window_bounds = array<i64: 1024, 128>}, {pipeline_mode = #tpu.pipeline_mode<synchronous>, transform_indices = @transform_1, window_bounds = array<i64: 128, 128>}, {transform_indices = @transform_2, window_bounds = array<i64: 1024, 128>}]} {
    %get3A = arith.constant 0 : index
    %get3A_0 = arith.constant 0 : index
    %get3A_1 = vector.load %arg1[%get3A, %get3A_0] : memref<1024x128xf32, #tpu.memory_space<vmem>>, vector<1024x128xf32>
    %get3A_2 = arith.constant 0 : index
    %get3A_3 = arith.constant 0 : index
    %get3A_4 = vector.load %arg2[%get3A_2, %get3A_3] : memref<128x128xf32, #tpu.memory_space<vmem>>, vector<128x128xf32>
    %dot_general3A = arith.constant dense<0.000000e+00> : vector<1024x128xf32>
    %dot_general3A_5 = tpu.matmul %get3A_1, %get3A_4, %dot_general3A {dimension_numbers = #tpu.dot_dimension_numbers<[1], [0], [0], [1], [0, 0, 1, 1], [], []>, transpose_lhs_hint = false} : vector<1024x128xf32>, vector<128x128xf32>, vector<1024x128xf32> -> vector<1024x128xf32>
    %swap3A = arith.constant 0 : index
    %swap3A_6 = arith.constant 0 : index
    %swap3A_7 = vector.load %arg3[%swap3A, %swap3A_6] : memref<1024x128xf32, #tpu.memory_space<vmem>>, vector<1024x128xf32>
    tpu.vector_store %arg3[%swap3A, %swap3A_6], %dot_general3A_5 {strides = array<i32>} : memref<1024x128xf32, #tpu.memory_space<vmem>>, vector<1024x128xf32>,
    return
  }
  func.func @transform_0(%arg0: i32) -> (i32, i32) {
    %c0_i32 = arith.constant 0 : i32
    %c0_i32_0 = arith.constant 0 : i32
    return %arg0, %c0_i32 : i32, i32
  }
  func.func @transform_1(%arg0: i32) -> (i32, i32) {
    %c0_i32 = arith.constant 0 : i32
    %c0_i32_0 = arith.constant 0 : i32
    %c0_i32_1 = arith.constant 0 : i32
    return %c0_i32, %c0_i32_0 : i32, i32
  }
  func.func @transform_2(%arg0: i32) -> (i32, i32) {
    %c0_i32 = arith.constant 0 : i32
    %c0_i32_0 = arith.constant 0 : i32
    return %arg0, %c0_i32 : i32, i32
  }
}

module attributes {stable_mosaic.version = 14 : i64} {
  func.func @_scale_body(%arg0: i32, %arg1: memref<1024x128xf32, #tpu.memory_space<vmem>>, %arg2: memref<2x1024x1xf32, #tpu.memory_space<vmem>>, %arg3: memref<1024x128xf32, #tpu.memory_space<vmem>>, %arg4: memref<1024x1xf32, #tpu.memory_space<vmem>>) attributes {dimension_semantics = [#tpu.dimension_semantics<arbitrary>], iteration_bounds = array<i64: 10>, scalar_prefetch = 0 : i64, scratch_operands = 0 : i64, tpu.core_type = #tpu.core_type<tc>, window_params = [{transform_indices = @transform_0, window_bounds = array<i64: 1024, 128>}, {transform_indices = @transform_1, window_bounds = array<i64: 2, 1024, 1>}, {transform_indices = @transform_2, window_bounds = array<i64: 1024, 128>}, {transform_indices = @transform_3, window_bounds = array<i64: 1024, 1>}]} {
    %get3A = arith.constant 0 : index
    %get3A_0 = arith.constant 0 : index
    %get3A_1 = arith.constant 0 : index
    %get3A_2 = vector.load %arg2[%get3A, %get3A_0, %get3A_1] : memref<2x1024x1xf32, #tpu.memory_space<vmem>>, vector<2x1024x1xf32>
    %slice3A = vector.extract_strided_slice %get3A_2 {offsets = [0, 0, 0], sizes = [1, 1024, 1], strides = [1, 1, 1]} : vector<2x1024x1xf32> to vector<1x1024x1xf32>
    %squeeze3A = vector.shape_cast %slice3A : vector<1x1024x1xf32> to vector<1024x1xf32>
    %slice3A_3 = vector.extract_strided_slice %get3A_2 {offsets = [1, 0, 0], sizes = [1, 1024, 1], strides = [1, 1, 1]} : vector<2x1024x1xf32> to vector<1x1024x1xf32>
    %squeeze3A_4 = vector.shape_cast %slice3A_3 : vector<1x1024x1xf32> to vector<1024x1xf32>
    %add3A = arith.addf %squeeze3A, %squeeze3A_4 : vector<1024x1xf32>
    %add3A_5 = arith.constant 1.000000e+00 : f32
    %add3A_6 = vector.broadcast %add3A_5 : f32 to vector<1024x1xf32>
    %add3A_7 = arith.addf %add3A, %add3A_6 : vector<1024x1xf32>
    %rsqrt3A = math.rsqrt %add3A_7 : vector<1024x1xf32>
    %get3A_8 = arith.constant 0 : index
    %get3A_9 = arith.constant 0 : index
    %get3A_10 = vector.load %arg1[%get3A_8, %get3A_9] : memref<1024x128xf32, #tpu.memory_space<vmem>>, vector<1024x128xf32>
    %mul3A = vector.broadcast %rsqrt3A : vector<1024x1xf32> to vector<1024x128xf32>
    %mul3A_11 = arith.mulf %get3A_10, %mul3A : vector<1024x128xf32>
    %swap3A = arith.constant 0 : index
    %swap3A_12 = arith.constant 0 : index
    %swap3A_13 = vector.load %arg3[%swap3A, %swap3A_12] : memref<1024x128xf32, #tpu.memory_space<vmem>>, vector<1024x128xf32>
    tpu.vector_store %arg3[%swap3A, %swap3A_12], %mul3A_11 {strides = array<i32>} : memref<1024x128xf32, #tpu.memory_space<vmem>>, vector<1024x128xf32>,
    %swap3A_14 = arith.constant 0 : index
    %swap3A_15 = arith.constant 0 : index
    %swap3A_16 = vector.load %arg4[%swap3A_14, %swap3A_15] : memref<1024x1xf32, #tpu.memory_space<vmem>>, vector<1024x1xf32>
    tpu.vector_store %arg4[%swap3A_14, %swap3A_15], %rsqrt3A {strides = array<i32>} : memref<1024x1xf32, #tpu.memory_space<vmem>>, vector<1024x1xf32>,
    return
  }
  func.func @transform_0(%arg0: i32) -> (i32, i32) {
    %c0_i32 = arith.constant 0 : i32
    %c0_i32_0 = arith.constant 0 : i32
    return %arg0, %c0_i32 : i32, i32
  }
  func.func @transform_1(%arg0: i32) -> (i32, i32, i32) {
    %c0_i32 = arith.constant 0 : i32
    %c0_i32_0 = arith.constant 0 : i32
    %c0_i32_1 = arith.constant 0 : i32
    return %c0_i32, %arg0, %c0_i32_0 : i32, i32, i32
  }
  func.func @transform_2(%arg0: i32) -> (i32, i32) {
    %c0_i32 = arith.constant 0 : i32
    %c0_i32_0 = arith.constant 0 : i32
    return %arg0, %c0_i32 : i32, i32
  }
  func.func @transform_3(%arg0: i32) -> (i32, i32) {
    %c0_i32 = arith.constant 0 : i32
    %c0_i32_0 = arith.constant 0 : i32
    return %arg0, %c0_i32 : i32, i32
  }
}

module attributes {stable_mosaic.version = 14 : i64} {
  func.func @_ep_body(%arg0: i32, %arg1: memref<2x1024x128xf32, #tpu.memory_space<vmem>>, %arg2: memref<1024x1xf32, #tpu.memory_space<vmem>>, %arg3: memref<1x128xf32, #tpu.memory_space<vmem>>, %arg4: memref<1024x128xf32, #tpu.memory_space<vmem>>) attributes {dimension_semantics = [#tpu.dimension_semantics<arbitrary>], iteration_bounds = array<i64: 10>, scalar_prefetch = 0 : i64, scratch_operands = 0 : i64, tpu.core_type = #tpu.core_type<tc>, window_params = [{transform_indices = @transform_0, window_bounds = array<i64: 2, 1024, 128>}, {transform_indices = @transform_1, window_bounds = array<i64: 1024, 1>}, {pipeline_mode = #tpu.pipeline_mode<synchronous>, transform_indices = @transform_2, window_bounds = array<i64: 1, 128>}, {transform_indices = @transform_3, window_bounds = array<i64: 1024, 128>}]} {
    %get3A = arith.constant 0 : index
    %get3A_0 = arith.constant 0 : index
    %get3A_1 = arith.constant 0 : index
    %get3A_2 = vector.load %arg1[%get3A, %get3A_0, %get3A_1] : memref<2x1024x128xf32, #tpu.memory_space<vmem>>, vector<2x1024x128xf32>
    %slice3A = vector.extract_strided_slice %get3A_2 {offsets = [0, 0, 0], sizes = [1, 1024, 128], strides = [1, 1, 1]} : vector<2x1024x128xf32> to vector<1x1024x128xf32>
    %squeeze3A = vector.shape_cast %slice3A : vector<1x1024x128xf32> to vector<1024x128xf32>
    %slice3A_3 = vector.extract_strided_slice %get3A_2 {offsets = [1, 0, 0], sizes = [1, 1024, 128], strides = [1, 1, 1]} : vector<2x1024x128xf32> to vector<1x1024x128xf32>
    %squeeze3A_4 = vector.shape_cast %slice3A_3 : vector<1x1024x128xf32> to vector<1024x128xf32>
    %add3A = arith.addf %squeeze3A, %squeeze3A_4 : vector<1024x128xf32>
    %get3A_5 = arith.constant 0 : index
    %get3A_6 = arith.constant 0 : index
    %get3A_7 = vector.load %arg2[%get3A_5, %get3A_6] : memref<1024x1xf32, #tpu.memory_space<vmem>>, vector<1024x1xf32>
    %mul3A = vector.broadcast %get3A_7 : vector<1024x1xf32> to vector<1024x128xf32>
    %mul3A_8 = arith.mulf %add3A, %mul3A : vector<1024x128xf32>
    %get3A_9 = arith.constant 0 : index
    %get3A_10 = arith.constant 0 : index
    %get3A_11 = vector.load %arg3[%get3A_9, %get3A_10] : memref<1x128xf32, #tpu.memory_space<vmem>>, vector<1x128xf32>
    %add3A_12 = vector.broadcast %get3A_11 : vector<1x128xf32> to vector<1024x128xf32>
    %add3A_13 = arith.addf %mul3A_8, %add3A_12 : vector<1024x128xf32>
    %max3A = arith.constant 0.000000e+00 : f32
    %max3A_14 = vector.broadcast %max3A : f32 to vector<1024x128xf32>
    %max3A_15 = arith.maximumf %add3A_13, %max3A_14 : vector<1024x128xf32>
    %swap3A = arith.constant 0 : index
    %swap3A_16 = arith.constant 0 : index
    %swap3A_17 = vector.load %arg4[%swap3A, %swap3A_16] : memref<1024x128xf32, #tpu.memory_space<vmem>>, vector<1024x128xf32>
    tpu.vector_store %arg4[%swap3A, %swap3A_16], %max3A_15 {strides = array<i32>} : memref<1024x128xf32, #tpu.memory_space<vmem>>, vector<1024x128xf32>,
    return
  }
  func.func @transform_0(%arg0: i32) -> (i32, i32, i32) {
    %c0_i32 = arith.constant 0 : i32
    %c0_i32_0 = arith.constant 0 : i32
    %c0_i32_1 = arith.constant 0 : i32
    return %c0_i32, %arg0, %c0_i32_0 : i32, i32, i32
  }
  func.func @transform_1(%arg0: i32) -> (i32, i32) {
    %c0_i32 = arith.constant 0 : i32
    %c0_i32_0 = arith.constant 0 : i32
    return %arg0, %c0_i32 : i32, i32
  }
  func.func @transform_2(%arg0: i32) -> (i32, i32) {
    %c0_i32 = arith.constant 0 : i32
    %c0_i32_0 = arith.constant 0 : i32
    %c0_i32_1 = arith.constant 0 : i32
    return %c0_i32, %c0_i32_0 : i32, i32
  }
  func.func @transform_3(%arg0: i32) -> (i32, i32) {
    %c0_i32 = arith.constant 0 : i32
    %c0_i32_0 = arith.constant 0 : i32
    return %arg0, %c0_i32 : i32, i32
  }
}

</mosaic_0001>

<sc_bundles>
// kernel: kernel.10.cloned.1.call-start
scs
__scs_entry_jumppad:
0x0: {  	(pc) =	sbr.rel $0x88, $3  }
0x1: {  	(tag) =	ssettag $0x0;
	lr =	simm.s32 $0x1  }
0x2: {  	[smem:$0x3F9D] =	sst lr;
	_ =	strace $0xD0000000  }
0x3: {  	_ = 	snop  }
0x4: {  	_ = 	snop  }
0x5: {  	_ = 	snop  }
0x6: {  	_ = 	snop  }
0x7: {  	_ = 	snop  }
__scs_overlays_trampoline_lowered:
0x8: {  	[smem:$0x3FAC] =	sst s0  }
0x9: {  	[smem:$0x3FAD] =	sst s1  }
0xa: {  	[smem:$0x3FAE] =	sst s2  }
0xb: {  	[smem:$0x3FAF] =	sst s3  }
0xc: {  	[smem:$0x3FB0] =	sst s4  }
0xd: {  	[smem:$0x3FB1] =	sst s5  }
0xe: {  	[smem:$0x3FB2] =	sst s6  }
0xf: {  	[smem:$0x3FB3] =	sst s7  }
0x10: {  	[smem:$0x3FB4] =	sst s8  }
0x11: {  	[smem:$0x3FB5] =	sst s9;
	s0 =	simm.s32 @!p0 $0x0  }
0x12: {  	s1 =	sld [smem:$0x3F9B];
	s0 =	simm.s32 @p0 $0x1  }
0x13: {  	[smem:$0x3FB6] =	sst s0;
	s0 =	simm.s32 @!p1 $0x0  }
0x14: {  	s2 =	sld [smem:$0x3F9A];
	s0 =	simm.s32 @p1 $0x1  }
0x15: {  	[smem:$0x3FB7] =	sst s0;
	s0 =	simm.s32 @!p2 $0x0  }
0x16: {  	s3 =	sld [smem:$0x3FDB];
	s0 =	simm.s32 @p2 $0x1  }
0x17: {  	s4 =	simm.s32 $0x1BF5;
	[smem:$0x3FB9] =	sst s0  }
0x18: {  	s0 =	sld [smem:$0x3F9C];
	_ =	swait.ge [sflag:s4], $0x0  }
0x19: {  	s7 =	sld [smem:$0x3F9D]  }
0x1a: {  	s8 =	sadd.s32 $0xFFFFE003, lr  }
0x1b: {  	s9 =	sadd.s32 $0xFFFFFEF7, lr;
	s5 =	simm.s32 $0xFFFFFFFF;
	p2 =	slt.u32 s8, $0xFFFFF086  }
0x1c: {  	p1 =	slt.u32 s9, $0xF7A;
	s5 =	simm.s32 @!p2 $0x0  }
0x1d: {  	s5 =	simm.s32 @p1 $0x1;
	p0 =	seq.s32 s7, s2  }
0x1e: {  	s7 =	smul.u32 @!p0 $0xF7A, s2;
	p2 =	seq.s32 @!p0 s5, $0x0  }
0x1f: {  	s9 =	smul.u32 $0xF7A, s1;
	s8 =	simm.s32 @!p0 $0x1BF5;
	p2 =	por !p2, p0  }
0x20: {  	[sflag:s8] =	ssyncset.s32 @!p0 $0xFFFFF086;
	s6 =	sadd.s32 @!p0 s3, s7;
	s7 =	simm.s32 @!p0 $0x108  }
0x21: {  	s3 =	sadd.s32 s3, s9;
	s6 =	sadd.s32 @!p0 $0x88, s6;
	s7 =	simm.s32 @p2 $0x1082  }
0x22: {  	[simem:s7], [sflag:s8] =	dma.local @!p0 [hbm:s6], $0xF7A  }
0x23: {  	s9 =	sor.u32 $0xD0000000, s2;
	s6 =	simm.s32 $0x108;
	_ =	swait.ge @!p0 [sflag:s8], $0x0  }
0x24: {  	s3 =	sadd.s32 $0x88, s3;
	s6 =	simm.s32 @!p1 $0x1082;
	[sflag:s4] =	ssyncset.s32 $0xFFFFF086  }
0x25: {  	[simem:s6], [sflag:s4] =	dma.local [hbm:s3], $0xF7A  }
0x26: {  	[smem:$0x3F9D] =	sst s1;
	(tag) =	ssettag s2;
	_ =	strace s9  }
0x27: {  	s1 =	sld [smem:$0x3FAD]  }
0x28: {  	s2 =	sld [smem:$0x3FAE]  }
0x29: {  	s4 =	sld [smem:$0x3FB0]  }
0x2a: {  	p0 =	seq.s32 s5, $0x0;
	s5 =	sld [smem:$0x3FB1]  }
0x2b: {  	s6 =	sld [smem:$0x3FB2]  }
0x2c: {  	s7 =	sld [smem:$0x3FB3]  }
0x2d: {  	s3 =	simm.s32 $0x108;
	s8 =	sld [smem:$0x3FB4]  }
0x2e: {  	s3 =	simm.s32 @!p0 $0x1082;
	s9 =	sld [smem:$0x3FB5]  }
0x2f: {  	lr =	sadd.s32 s0, s3;
	s0 =	sld [smem:$0x3FAC]  }
0x30: {  	s3 =	sld [smem:$0x3FAF]  }
0x31: {  	[smem:$0x3FB8] =	sst s10  }
0x32: {  	s10 =	sld [smem:$0x3FB6];
	_ =	sdelay $0x3  }
0x33: {  	p0 =	seq.s32 s10, $0x1;
	s10 =	sld [smem:$0x3FB8];
	_ =	sdelay $0x3  }
0x34: {  	[smem:$0x3FB8] =	sst s10  }
0x35: {  	s10 =	sld [smem:$0x3FB7];
	_ =	sdelay $0x3  }
0x36: {  	p1 =	seq.s32 s10, $0x1;
	s10 =	sld [smem:$0x3FB8];
	_ =	sdelay $0x3  }
0x37: {  	[smem:$0x3FB8] =	sst s10  }
0x38: {  	s10 =	sld [smem:$0x3FB9]  }
0x39: {  	_ = 	snop;
	(pc) =	sbr.ind lr, $3  }
0x3a: {  	_ = 	snop  }
0x3b: {  	_ = 	snop  }
0x3c: {  	p2 =	seq.s32 s10, $0x1;
	s10 =	sld [smem:$0x3FB8]  }
0x3d: {  	_ =	shalt  }
0x3e: {  	_ =	shalt  }
0x3f: {  	_ =	shalt  }
0x40: {  	_ =	shalt  }
0x41: {  	_ =	shalt  }
0x42: {  	_ =	shalt  }
0x43: {  	_ =	shalt  }
0x44: {  	_ =	shalt  }
0x45: {  	_ =	shalt  }
0x46: {  	_ =	shalt  }
0x47: {  	_ =	shalt  }
0x48: {  	_ =	shalt  }
0x49: {  	_ =	shalt  }
0x4a: {  	_ =	shalt  }
0x4b: {  	_ =	shalt  }
0x4c: {  	_ =	shalt  }
0x4d: {  	_ =	shalt  }
0x4e: {  	_ =	shalt  }
0x4f: {  	_ =	shalt  }
0x50: {  	_ =	shalt  }
0x51: {  	_ =	shalt  }
0x52: {  	_ =	shalt  }
0x53: {  	_ =	shalt  }
0x54: {  	_ =	shalt  }
0x55: {  	_ =	shalt  }
0x56: {  	_ =	shalt  }
0x57: {  	_ =	shalt  }
0x58: {  	_ =	shalt  }
0x59: {  	_ =	shalt  }
0x5a: {  	_ =	shalt  }
0x5b: {  	_ =	shalt  }
0x5c: {  	_ =	shalt  }
0x5d: {  	_ =	shalt  }
0x5e: {  	_ =	shalt  }
0x5f: {  	_ =	shalt  }
0x60: {  	_ =	shalt  }
0x61: {  	_ =	shalt  }
0x62: {  	_ =	shalt  }
0x63: {  	_ =	shalt  }
0x64: {  	_ =	shalt  }
0x65: {  	_ =	shalt  }
0x66: {  	_ =	shalt  }
0x67: {  	_ =	shalt  }
0x68: {  	_ =	shalt  }
0x69: {  	_ =	shalt  }
0x6a: {  	_ =	shalt  }
0x6b: {  	_ =	shalt  }
0x6c: {  	_ =	shalt  }
0x6d: {  	_ =	shalt  }
0x6e: {  	_ =	shalt  }
0x6f: {  	_ =	shalt  }
0x70: {  	_ =	shalt  }
0x71: {  	_ =	shalt  }
0x72: {  	_ =	shalt  }
0x73: {  	_ =	shalt  }
0x74: {  	_ =	shalt  }
0x75: {  	_ =	shalt  }
0x76: {  	_ =	shalt  }
0x77: {  	_ =	shalt  }
0x78: {  	_ =	shalt  }
0x79: {  	_ =	shalt  }
0x7a: {  	_ =	shalt  }
0x7b: {  	_ =	shalt  }
0x7c: {  	_ =	shalt  }
0x7d: {  	_ =	shalt  }
0x7e: {  	_ =	shalt  }
0x7f: {  	_ =	shalt  }
0x80: {  	_ =	shalt  }
0x81: {  	_ =	shalt  }
0x82: {  	_ =	shalt  }
0x83: {  	_ =	shalt  }
0x84: {  	_ =	shalt  }
0x85: {  	_ =	shalt  }
0x86: {  	_ =	shalt  }
0x87: {  	_ =	shalt  }
.Lfunc_end0:
.L_simem_size_0:
called_computation.1_lowered:
.L_overlay_start_0:
0x88: {  	s2 =	sld [smem:$0x3FD9]  }
0x89: {  	s3 =	sld [smem:$0x3FFE];
	_ =	sdelay $0x1  }
0x8a: {  	s1 =	srdreg.scid  }
0x8b: {  	s0 =	sand.u32 $0x1, s1  }
0x8c: {  	s17 =	sshll.u32 s0, $0xA;
	s2 =	sadd.s32 s3, s2  }
0x8d: {  	s2 =	sadd.s32 s2, s17  }
0x8e: {  	[smem:$0x3FC4] =	sst s2  }
0x8f: {  	_ = 	snop  }
0x90: {  	s2 =	sld [smem:$0x3FD0];
	(tm) =	ssettm $0x1  }
0x91: {  	s18 =	sld [smem:$0x3FFB];
	_ =	sdelay $0x3  }
0x92: {  	_ =	strace s18  }
0x93: {  	s3 =	sld [smem:$0x3FFC];
	_ =	sdelay $0x3  }
0x94: {  	_ =	strace s3  }
0x95: {  	s3 =	sld [smem:$0x3FFD];
	_ =	sdelay $0x3  }
0x96: {  	_ =	strace s3  }
0x97: {  	_ =	strace $0x8FFFFFFF  }
0x98: {  	s19 =	sld [smem:$0x3FDB];
	_ =	sdelay $0x1  }
0x99: {  	s4 =	simm.s32 $_scs_section_size  }
0x9a: {  	s5 =	simm.s32 $_size__tile_overlayer_lowered;
	s6 =	simm.s32 $_tile_overlayer_lowered  }
0x9b: {  	s22 =	simm.s32 $0x1BFF;
	s21 =	sshll.u32 s6, $0x1;
	s3 =	sadd.s32 s4, s19  }
0x9c: {  	s7 =	simm.s32 $0x0;
	s20 =	sshll.u32 s5, $0x1;
	s5 =	sadd.s32 s21, s3  }
0x9d: {  	[timem:s7], [sflag:s22] =	dma.local [hbm:s5], s20  }
0x9e: {  	_ =	swait.ge [sflag:s22], s20  }
0x9f: {  	s4 =	ssub.s32 $0x0, s20;
	[sflag:s22] =	ssyncset.done $0x0  }
0xa0: {  	[sflag:s22] =	ssyncadd.s32 s4;
	_ =	sdelay $0x1  }
0xa1: {  	s23 =	simm.s32 $0x1B8B  }
0xa2: {  	_ =	swait.ge [sflag:s23], $0x1  }
0xa3: {  	[sflag:s23] =	ssyncset.done $0x0  }
0xa4: {  	s25 =	simm.s32 $0x1B8E;
	s24 =	sld [smem:$0x3FFE];
	[sflag:s23] =	ssyncadd.s32 $0xFFFFFFFF  }
0xa5: {  	s26 =	simm.s32 $execute0_lowered;
	[smem:$0x3FD2] =	sst s25  }
0xa6: {  	s5 =	sshll.u32 s26, $0x1;
	_ =	strace $0x80000049;
	[dreg:$0x1] =	wrdreg $0xFFFFFFFF  }
0xa7: {  	s28 =	simm.s32 $_size_execute0_lowered;
	s3 =	sadd.s32 s3, s5;
	[dreg:$0x0] =	wrdreg $0x0  }
0xa8: {  	s5 =	sshll.u32 s28, $0x1;
	[dreg:$0x2] =	wrdreg s3  }
0xa9: {  	[dreg:$0x3] =	wrdreg s5  }
0xaa: {  	[dreg:$0x4] =	wrdreg $0xC0  }
0xab: {  	_ =	task [dreg:s7], $0x5FFFF  }
0xac: {  	[dreg:$0x1] =	wrdreg $0xFFFFFFFF  }
0xad: {  	[dreg:$0x0] =	wrdreg $0x60  }
0xae: {  	[dreg:$0x2] =	wrdreg s24  }
0xaf: {  	[dreg:$0x3] =	wrdreg s2  }
0xb0: {  	[dreg:$0x4] =	wrdreg $0x83000  }
0xb1: {  	[dreg:$0x5] =	wrdreg $0x9  }
0xb2: {  	_ =	task.clear_ibuf [dreg:s7], $0x6FFFF;
	_ =	strace $0x90000049  }
0xb3: {  	s29 =	simm.s32 $0x9;
	_ =	strace $0x8000004B  }
0xb4: {  	_ =	swait.ge [sflag:s29], $0x1  }
0xb5: {  	[sflag:s29] =	ssyncadd.s32 $0xFFFFFFFF  }
0xb6: {  	_ =	strace $0x9000004B  }
0xb7: {  	_ =	sfence  }
0xb8: {  	s30 =	sld [smem:$0x0];
	_ =	sdelay $0x2  }
0xb9: {  	s31 =	sshll.u32 s1, $0xD;
	s1 =	sshrl.u32 s1, $0x2  }
0xba: {  	s3 =	sand.u32 $0x4000, s31;
	s1 =	sadd.s32 s1, s30  }
0xbb: {  	s0 =	sor.u32 s3, s0;
	s1 =	sshll.u32 s1, $0x11  }
0xbc: {  	s0 =	sor.u32 s1, s0  }
0xbd: {  	s0 =	sadd.s32 $0x8F2B, s0  }
0xbe: {  	[sflag:s0] =	ssyncadd.remote.s32 $0x1  }
0xbf: {  	_ =	sfence.sel $0xFFFF  }
0xc0: {  	[dreg:$0x0] =	wrdreg $0xFFFFFFFF;
	(pc) =	sbr.abs _section_cstart, $3  }
0xc1: {  	[dreg:$0x1] =	wrdreg $0xFFFFFFFF  }
0xc2: {  	_ =	task.clear_ibuf [dreg:s7], $0x2FFFF;
	_ =	strace $0x9FFFFFFF  }
0xc3: {  	(tm) =	ssettm $0x7FFFFFFF  }
tec
execute0_lowered:
.L_overlay_start_1:
0x0: {  	(tag) =	ssettag $0x1  }
0x1: {  	s5 =	rddreg [dreg:$0x0]  }
0x2: {  	s0 =	rddreg [dreg:$0x1]  }
0x3: {  	s1 =	rddreg [dreg:$0x2]  }
0x4: {  	s2 =	srdreg.scid;
	[dreg:$0x6] =	wrdreg s0  }
0x5: {  	s0 =	rddreg [dreg:$0x3];
	s6 =	sand.u32 $0x1, s2  }
0x6: {  	s3 =	simm.s32 $0x0;
	s2 =	stileid.u32;
	s7 =	smul.u32 $0x140000, s6  }
0x7: {  	[smem:$0x7FF] =	sst s3;
	s4 =	sadd.s32 $0x1400, s5;
	s8 =	smul.u32 $0x14000, s2  }
0x8: {  	s12 =	sadd.s32 $0x33400, s5;
	_ =	strace $0x8000004A;
	s9 =	smul.u32 $0x50000, s2  }
0x9: {  	[dreg:$0x5] =	wrdreg s4;
	s4 =	sadd.s32 $0xB400, s5;
	s11 =	smul.u32 $0x2800, s2  }
0xa: {  	s26 =	ssub.s32 $0x2, s6;
	s28 =	smul.u32 $0x28000, s6;
	p0 =	seq.s32 s6, $0x1  }
0xb: {  	s31 =	sshll.u32 s2, $0x6;
	s10 =	sshrl.u32 s26, $0x1;
	s7 =	sadd.s32 s8, s7  }
0xc: {  	s8 =	ssub.s32 s26, s10;
	s29 =	sshrl.u32 s9, $0x2;
	s30 =	sadd.s32 s11, s28  }
0xd: {  	s10 =	simm.s32 $0x5;
	s7 =	sshrl.u32 s7, $0x3;
	s9 =	sadd.s32 s29, s1  }
0xe: {  	[dreg:$0x4] =	wrdreg s30;
	s7 =	sadd.s32 s7, s5;
	s5 =	sadd.s32 s4, s11  }
0xf: {  	s9 =	sshrl.u32 s9, $0x3;
	s11 =	simm.s32 $0x0;
	s6 =	sadd.s32 $0x35C00, s7  }
0x10: {  	s7 =	smax.u32 s8, $0x1;
	s5 =	smov.u32 @p0 s12;
	s8 =	sor.u32 $0x1C05, s31  }
.LBB2_1:
0x11: {  	[spmem:s9], [sflag:s8] =	dma.local [hbm:s5], $0x2800  }
0x12: {  	p0 =	por $0x1, $0x1;
	p1 =	por $0x0, $0x0;
	_ =	swait.ge [sflag:s10], $0x2800  }
0x13: {  	s14 =	smul.u32 @!p1 $0xAB, s3;
	s15 =	sand.u32 @!p1 $0x1, s3;
	s16 =	simm.s32 @!p1 $0x380  }
0x14: {  	s18 =	sand.u32 @!p1 $0x3C00, s3;
	p3 =	por @!p0 $0x0, $0x0;
	[sflag:s10] =	ssyncset.done $0x0  }
0x15: {  	p2 =	seq.s32 @!p1 s15, $0x1;
	s15 =	simm.s32 @!p1 $0x0;
	[sflag:s10] =	ssyncadd.s32 $0xFFFFD800  }
0x16: {  	s14 =	sshrl.u32 @!p1 s14, $0x9;
	p4 =	por !p2, p1;
	[bflag:$0x0] =	sbarrier.arrive $0xFFFF  }
0x17: {  	p2 =	por p3, p0;
	s14 =	sand.u32 @!p1 $0x7F, s14;
	s12 =	rddreg [dreg:$0x5]  }
0x18: {  	s16 =	simm.s32 @p4 $0x300;
	s13 =	rddreg [dreg:$0x4];
	s14 =	smul.u32 @!p1 $0x3, s14  }
0x19: {  	s17 =	rddreg [dreg:$0x6];
	s16 =	sand.u32 @!p1 s16, s3;
	s13 =	sadd.s32 @!p1 s18, s13  }
0x1a: {  	s18 =	simm.s32 @!p1 $0x2;
	s13 =	sor.u32 @!p1 s16, s13;
	s14 =	ssub.s32 @!p1 $0x0, s14  }
0x1b: {  	s16 =	simm.s32 @!p2 $0xFFFFFFFF;
	s18 =	simm.s32 @p4 $0x1;
	s13 =	sshrl.u32 @!p1 s13, $0x3  }
0x1c: {  	s14 =	sand.u32 @!p1 $0xFF, s14;
	s19 =	sand.u32 @!p2 $0x1, s16;
	s12 =	sadd.s32 @!p1 s12, s13  }
0x1d: {  	s14 =	sshll.u32 @!p1 s14, $0x8;
	p5 =	seq.s32 @!p2 s19, $0x1;
	s13 =	sadd.s32 @!p1 s17, s13  }
0x1e: {  	[tilespmem:s14], [sflag:s18] =	stream.linear.gather @!p1 [hbm4b:s12+s15], $0x80, $0x38;
	[tilespmem:$0x1C300] =	vst v63  }
0x1f: {  	s12 =	sand.u32 @!p2 $0xFF, s16;
	s14 =	sor.u32 @!p1 $0x80, s14;
	p4 =	por @!p0 !p5, p3  }
0x20: {  	p3 =	por @!p0 p5, p3;
	s12 =	smul.u32 @!p2 $0xAB, s12;
	p4 =	por p4, p0  }
0x21: {  	[tilespmem:s14], [sflag:s18] =	stream.linear.gather @!p1 [hbm4b:s13+s15], $0x80, $0x38;
	[tilespmem:$0x1C300] =	vst v63  }
0x22: {  	p0 =	por p3, p0;
	s15 =	simm.s32 @!p4 $0x2;
	p1 =	por $0x1, $0x1  }
0x23: {  	s17 =	simm.s32 @!p4 $0x4300;
	s13 =	sshrl.u32 @!p2 s12, $0x9;
	_ =	swait.ge @!p4 [sflag:s15], $0x80  }
0x24: {  	s18 =	simm.s32 @!p4 $0x80;
	s14 =	smul.u32 @!p2 $0x3, s13;
	[sflag:s15] =	ssyncset.done @!p4 $0x0  }
0x25: {  	s20 =	simm.s32 @!p0 $0x80;
	s12 =	simm.s32 $0x1;
	[sflag:s15] =	ssyncadd.s32 @!p4 $0xFFFFFF80  }
0x26: {  	s19 =	simm.s32 @!p1 $0xFFFFFFFE;
	s16 =	ssub.s32 @!p2 $0xFFFFFFFF, s14;
	_ =	swait.ge @!p4 [sflag:s15], $0x80  }
0x27: {  	s13 =	simm.s32 $0x80;
	s16 =	sand.u32 @!p2 $0xFF, s16;
	[sflag:s15] =	ssyncset.done @!p4 $0x0  }
0x28: {  	s16 =	sshll.u32 @!p2 s16, $0x8;
	[sflag:s15] =	ssyncadd.s32 @!p4 $0xFFFFFF80;
	s15 =	simm.s32 @!p0 $0x1  }
0x29: {  	[tilespmem:s17], [sflag:$0x4] =	stream.indirect.gather @!p4 [hbm4b:s4+s18], $0x80, s16, s18, $0xb8;
	[tilespmem:$0x1C300] =	vst v63  }
0x2a: {  	s14 =	simm.s32 $0x10000;
	s17 =	sand.u32 @!p1 $0xFF, s19;
	_ =	swait.ge @!p0 [sflag:s15], $0x80  }
0x2b: {  	s18 =	sand.u32 @!p1 $0x1, s3;
	s19 =	simm.s32 @!p1 $0x4;
	[sflag:s15] =	ssyncset.done @!p0 $0x0  }
0x2c: {  	s17 =	smul.u32 @!p1 $0xAB, s17;
	p2 =	seq.s32 @!p1 s18, $0x1;
	[sflag:s15] =	ssyncadd.s32 @!p0 $0xFFFFFF80  }
0x2d: {  	s18 =	sand.u32 @!p1 $0x10000, s3;
	p2 =	por !p2, p1;
	_ =	swait.ge @!p0 [sflag:s15], $0x80  }
0x2e: {  	s17 =	sshrl.u32 @!p1 s17, $0x9;
	s19 =	simm.s32 @p2 $0x3;
	[sflag:s15] =	ssyncset.done @!p0 $0x0  }
0x2f: {  	s17 =	smul.u32 @!p1 $0x3, s17;
	[sflag:s15] =	ssyncadd.s32 @!p0 $0xFFFFFF80;
	s15 =	simm.s32 @!p0 $0x300  }
0x30: {  	[tilespmem:s15], [sflag:$0x3] =	stream.indirect.gather @!p0 [hbm4b:s4+s20], $0x80, s16, s20, $0xb8;
	[tilespmem:$0x1C300] =	vst v63  }
0x31: {  	s15 =	ssub.s32 @!p1 $0xFFFFFFFE, s17;
	s16 =	sshrl.u32 @!p1 s18, $0x2;
	_ =	swait.ge @!p1 [sflag:s19], $0x4000  }
0x32: {  	s18 =	simm.s32 @!p1 $0x80;
	s15 =	sand.u32 @!p1 $0xFF, s15;
	[sflag:s19] =	ssyncset.done @!p1 $0x0  }
0x33: {  	s17 =	sor.u32 @!p1 $0x300, s16;
	s15 =	sshll.u32 @!p1 s15, $0x8;
	[sflag:s19] =	ssyncadd.s32 @!p1 $0xFFFFC000  }
.LBB2_2:
0x34: {  	s19 =	sor.u32 @!p1 $0x80, s15;
	s20 =	simm.s32 @!p1 $0x5  }
0x35: {  	s16 =	smov.u32 s12;
	s12 =	sadd.s32 $0x1, s12;
	s15 =	smov.u32 s14  }
0x36: {  	[spmem:s1] =	stream.indirect.scatter.add.f32 @!p1 [tilespmem:s17], [sflag:$0x5], $0x80, s19, s18, $0xb8;
	[tilespmem:$0x1C300] =	vst v63  }
0x37: {  	s14 =	sadd.s32 $0x10000, s14;
	p3 =	sgt.u32 s16, $0x4F;
	_ =	swait.ge @!p1 [sflag:s20], $0x4000  }
0x38: {  	p2 =	seq.s32 s16, $0x0;
	s19 =	smul.u32 @!p3 $0xAB, s16;
	s17 =	rddreg [dreg:$0x5]  }
0x39: {  	s21 =	simm.s32 @!p3 $0x380;
	[sflag:s20] =	ssyncset.done @!p1 $0x0;
	s18 =	rddreg [dreg:$0x4]  }
0x3a: {  	s23 =	sand.u32 @!p3 $0x3C00, s13;
	s22 =	rddreg [dreg:$0x6];
	[sflag:s20] =	ssyncadd.s32 @!p1 $0xFFFFC000  }
0x3b: {  	s20 =	sand.u32 @!p3 $0x1, s16;
	s19 =	sshrl.u32 @!p3 s19, $0x9;
	s18 =	sadd.s32 @!p3 s23, s18  }
0x3c: {  	s23 =	simm.s32 @!p3 $0x2;
	p1 =	seq.s32 @!p3 s20, $0x1;
	s19 =	sand.u32 @!p3 $0x7F, s19  }
0x3d: {  	p5 =	por !p1, p3;
	s19 =	smul.u32 @!p3 $0x3, s19;
	p1 =	seq.s32 @!p2 s16, $0x51  }
0x3e: {  	s20 =	simm.s32 @!p3 $0x0;
	s21 =	simm.s32 @p5 $0x300;
	p4 =	por p1, p2  }
0x3f: {  	s23 =	simm.s32 @p5 $0x1;
	s21 =	sand.u32 @!p3 s21, s13;
	s19 =	ssub.s32 @!p3 s16, s19  }
0x40: {  	s18 =	sor.u32 @!p3 s21, s18;
	s21 =	sadd.s32 @!p4 $0xFFFFFFFF, s16;
	s19 =	sand.u32 @!p3 $0xFF, s19  }
0x41: {  	s18 =	sshrl.u32 @!p3 s18, $0x3;
	s24 =	sand.u32 @!p4 $0xFF, s21;
	s25 =	sand.u32 @!p4 $0x1, s21  }
0x42: {  	s19 =	sshll.u32 @!p3 s19, $0x8;
	s17 =	sadd.s32 @!p3 s17, s18;
	p5 =	seq.s32 @!p4 s25, $0x1  }
0x43: {  	[tilespmem:s19], [sflag:s23] =	stream.linear.gather @!p3 [hbm4b:s17+s20], $0x80, $0x38;
	[tilespmem:$0x1C300] =	vst v63  }
0x44: {  	s18 =	sadd.s32 @!p3 s22, s18;
	s17 =	sor.u32 @!p3 $0x80, s19;
	p6 =	por @!p2 !p5, p1  }
0x45: {  	[tilespmem:s17], [sflag:s23] =	stream.linear.gather @!p3 [hbm4b:s18+s20], $0x80, $0x38;
	[tilespmem:$0x1C300] =	vst v63  }
0x46: {  	p0 =	sne.s32 s12, $0x52;
	s19 =	smul.u32 @!p4 $0xAB, s24;
	p3 =	por p6, p2  }
0x47: {  	s13 =	sadd.s32 $0x80, s13;
	p5 =	por @!p2 p5, p1;
	s18 =	simm.s32 @!p3 $0x2  }
0x48: {  	p1 =	slt.u32 s16, $0x2;
	s17 =	sshrl.u32 @!p4 s19, $0x9;
	_ =	swait.ge @!p3 [sflag:s18], $0x80  }
0x49: {  	s15 =	sand.u32 @!p1 $0x10000, s15;
	s17 =	smul.u32 @!p4 $0x3, s17;
	[sflag:s18] =	ssyncset.done @!p3 $0x0  }
0x4a: {  	p2 =	por p5, p2;
	s19 =	simm.s32 @!p3 $0x4300;
	[sflag:s18] =	ssyncadd.s32 @!p3 $0xFFFFFF80  }
0x4b: {  	s20 =	simm.s32 @!p3 $0x80;
	s17 =	ssub.s32 @!p4 s21, s17;
	_ =	swait.ge @!p3 [sflag:s18], $0x80  }
0x4c: {  	s21 =	sadd.s32 @!p1 $0xFFFFFFFE, s16;
	s17 =	sand.u32 @!p4 $0xFF, s17;
	[sflag:s18] =	ssyncset.done @!p3 $0x0  }
0x4d: {  	s17 =	sshll.u32 @!p4 s17, $0x8;
	[sflag:s18] =	ssyncadd.s32 @!p3 $0xFFFFFF80;
	s18 =	simm.s32 @!p2 $0x1  }
0x4e: {  	[tilespmem:s19], [sflag:$0x4] =	stream.indirect.gather @!p3 [hbm4b:s4+s20], $0x80, s17, s20, $0xb8;
	[tilespmem:$0x1C300] =	vst v63  }
0x4f: {  	s16 =	sand.u32 @!p1 $0x1, s16;
	s19 =	sand.u32 @!p1 $0xFF, s21;
	_ =	swait.ge @!p2 [sflag:s18], $0x80  }
0x50: {  	p3 =	seq.s32 @!p1 s16, $0x1;
	s19 =	smul.u32 @!p1 $0xAB, s19;
	[sflag:s18] =	ssyncset.done @!p2 $0x0  }
0x51: {  	s20 =	simm.s32 @!p2 $0x80;
	p3 =	por !p3, p1;
	[sflag:s18] =	ssyncadd.s32 @!p2 $0xFFFFFF80  }
0x52: {  	s16 =	sshrl.u32 @!p1 s19, $0x9;
	s19 =	simm.s32 @!p1 $0x4;
	_ =	swait.ge @!p2 [sflag:s18], $0x80  }
0x53: {  	s16 =	smul.u32 @!p1 $0x3, s16;
	s19 =	simm.s32 @p3 $0x3;
	[sflag:s18] =	ssyncset.done @!p2 $0x0  }
.Ltmp0:
0x54: {  	[sflag:s18] =	ssyncadd.s32 @!p2 $0xFFFFFF80;
	s18 =	simm.s32 @!p2 $0x300;
	(pc) =	sbr.rel @p0 .LBB2_2-.Ltmp0, $4  }
0x55: {  	[tilespmem:s18], [sflag:$0x3] =	stream.indirect.gather @!p2 [hbm4b:s4+s20], $0x80, s17, s20, $0xb8;
	[tilespmem:$0x1C300] =	vst v63  }
0x56: {  	s15 =	sshrl.u32 @!p1 s15, $0x2;
	s16 =	ssub.s32 @!p1 s21, s16;
	_ =	swait.ge @!p1 [sflag:s19], $0x4000  }
0x57: {  	s16 =	sand.u32 @!p1 $0xFF, s16;
	s17 =	sor.u32 @!p1 $0x300, s15;
	[sflag:s19] =	ssyncset.done @!p1 $0x0  }
0x58: {  	s18 =	simm.s32 @!p1 $0x80;
	s15 =	sshll.u32 @!p1 s16, $0x8;
	[sflag:s19] =	ssyncadd.s32 @!p1 $0xFFFFC000  }
0x59: {  	s12 =	sor.u32 @!p1 $0x80, s15;
	s13 =	simm.s32 @!p1 $0x5  }
0x5a: {  	[spmem:s1] =	stream.indirect.scatter.add.f32 @!p1 [tilespmem:s17], [sflag:$0x5], $0x80, s12, s18, $0xb8;
	[tilespmem:$0x1C300] =	vst v63  }
0x5b: {  	_ =	swait.ge @!p1 [sflag:s13], $0x4000  }
0x5c: {  	s11 =	sadd.s32 $0x1, s11;
	[sflag:s13] =	ssyncset.done @!p1 $0x0  }
0x5d: {  	p0 =	sne.s32 s11, s7;
	[sflag:s13] =	ssyncadd.s32 @!p1 $0xFFFFC000  }
.Ltmp1:
0x5e: {  	[bflag:$0x0] =	sbarrier.arrive $0xFFFF;
	(pc) =	sbr.rel @p0 .LBB2_1-.Ltmp1, $4  }
0x5f: {  	[hbm:s6], [sflag:s8] =	dma.local [spmem:s9], $0x2800  }
0x60: {  	_ =	swait.ge [sflag:s10], $0x2800  }
0x61: {  	[sflag:s10] =	ssyncset.done $0x0  }
0x62: {  	[sflag:s10] =	ssyncadd.s32 $0xFFFFD800  }
0x63: {  	_ =	sfence.sel $0x180000  }
0x64: {  	[bflag:$0x0] =	sbarrier.arrive $0xFFFF  }
0x65: {  	p0 =	sne.s32 s2, $0x0;
	_ =	strace $0x9000004A  }
0x66: {  	s0 =	sadd.s32 @!p0 $0x100000, s0;
	[bflag:$0x2] =	sbarrier.arrive $0xFFFF  }
0x67: {  	[sflag:s0] =	ssyncadd.tile.s32 @!p0 $0x1;
	_ =	shalt  }
.Lfunc_end2:
_tile_overlayer_lowered:
.L_overlay_start_2:
0x68: {  	(tag) =	ssettag $0x2  }
0x69: {  	s0 =	rddreg [dreg:$0x0];
	s2 =	stileid.u32  }
0x6a: {  	s1 =	rddreg [dreg:$0x1];
	p0 =	sne.s32 s2, $0x0  }
0x6b: {  	s3 =	rddreg [dreg:$0x2];
	[bflag:$0x3] =	sbarrier.arrive $0xFFFF;
	s2 =	simm.s32 @!p0 $0x1C05  }
0x6c: {  	[timem:s3], [sflag:s2] =	dma.local @!p0 [hbm:s0], s1  }
0x6d: {  	s0 =	simm.s32 @!p0 $0x5  }
0x6e: {  	_ =	swait.ge @!p0 [sflag:s0], s1  }
0x6f: {  	s1 =	ssub.s32 @!p0 $0x0, s1;
	[sflag:s0] =	ssyncset.done @!p0 $0x0  }
0x70: {  	[sflag:s0] =	ssyncadd.s32 @!p0 s1  }
0x71: {  	[bflag:$0x3] =	sbarrier.arrive $0xFFFF  }
0x72: {  	_ =	shalt  }

// kernel: kernel.7.cloned.1.call-start
scs
__scs_entry_jumppad:
0x0: {  	(pc) =	sbr.rel $0x88, $3  }
0x1: {  	(tag) =	ssettag $0x0;
	lr =	simm.s32 $0x1  }
0x2: {  	[smem:$0x3F9D] =	sst lr;
	_ =	strace $0xD0000000  }
0x3: {  	_ = 	snop  }
0x4: {  	_ = 	snop  }
0x5: {  	_ = 	snop  }
0x6: {  	_ = 	snop  }
0x7: {  	_ = 	snop  }
__scs_overlays_trampoline_lowered:
0x8: {  	[smem:$0x3FAC] =	sst s0  }
0x9: {  	[smem:$0x3FAD] =	sst s1  }
0xa: {  	[smem:$0x3FAE] =	sst s2  }
0xb: {  	[smem:$0x3FAF] =	sst s3  }
0xc: {  	[smem:$0x3FB0] =	sst s4  }
0xd: {  	[smem:$0x3FB1] =	sst s5  }
0xe: {  	[smem:$0x3FB2] =	sst s6  }
0xf: {  	[smem:$0x3FB3] =	sst s7  }
0x10: {  	[smem:$0x3FB4] =	sst s8  }
0x11: {  	[smem:$0x3FB5] =	sst s9;
	s0 =	simm.s32 @!p0 $0x0  }
0x12: {  	s1 =	sld [smem:$0x3F9B];
	s0 =	simm.s32 @p0 $0x1  }
0x13: {  	[smem:$0x3FB6] =	sst s0;
	s0 =	simm.s32 @!p1 $0x0  }
0x14: {  	s2 =	sld [smem:$0x3F9A];
	s0 =	simm.s32 @p1 $0x1  }
0x15: {  	[smem:$0x3FB7] =	sst s0;
	s0 =	simm.s32 @!p2 $0x0  }
0x16: {  	s3 =	sld [smem:$0x3FDB];
	s0 =	simm.s32 @p2 $0x1  }
0x17: {  	s4 =	simm.s32 $0x1BF5;
	[smem:$0x3FB9] =	sst s0  }
0x18: {  	s0 =	sld [smem:$0x3F9C];
	_ =	swait.ge [sflag:s4], $0x0  }
0x19: {  	s7 =	sld [smem:$0x3F9D]  }
0x1a: {  	s8 =	sadd.s32 $0xFFFFE003, lr  }
0x1b: {  	s9 =	sadd.s32 $0xFFFFFEF7, lr;
	s5 =	simm.s32 $0xFFFFFFFF;
	p2 =	slt.u32 s8, $0xFFFFF086  }
0x1c: {  	p1 =	slt.u32 s9, $0xF7A;
	s5 =	simm.s32 @!p2 $0x0  }
0x1d: {  	s5 =	simm.s32 @p1 $0x1;
	p0 =	seq.s32 s7, s2  }
0x1e: {  	s7 =	smul.u32 @!p0 $0xF7A, s2;
	p2 =	seq.s32 @!p0 s5, $0x0  }
0x1f: {  	s9 =	smul.u32 $0xF7A, s1;
	s8 =	simm.s32 @!p0 $0x1BF5;
	p2 =	por !p2, p0  }
0x20: {  	[sflag:s8] =	ssyncset.s32 @!p0 $0xFFFFF086;
	s6 =	sadd.s32 @!p0 s3, s7;
	s7 =	simm.s32 @!p0 $0x108  }
0x21: {  	s3 =	sadd.s32 s3, s9;
	s6 =	sadd.s32 @!p0 $0x88, s6;
	s7 =	simm.s32 @p2 $0x1082  }
0x22: {  	[simem:s7], [sflag:s8] =	dma.local @!p0 [hbm:s6], $0xF7A  }
0x23: {  	s9 =	sor.u32 $0xD0000000, s2;
	s6 =	simm.s32 $0x108;
	_ =	swait.ge @!p0 [sflag:s8], $0x0  }
0x24: {  	s3 =	sadd.s32 $0x88, s3;
	s6 =	simm.s32 @!p1 $0x1082;
	[sflag:s4] =	ssyncset.s32 $0xFFFFF086  }
0x25: {  	[simem:s6], [sflag:s4] =	dma.local [hbm:s3], $0xF7A  }
0x26: {  	[smem:$0x3F9D] =	sst s1;
	(tag) =	ssettag s2;
	_ =	strace s9  }
0x27: {  	s1 =	sld [smem:$0x3FAD]  }
0x28: {  	s2 =	sld [smem:$0x3FAE]  }
0x29: {  	s4 =	sld [smem:$0x3FB0]  }
0x2a: {  	p0 =	seq.s32 s5, $0x0;
	s5 =	sld [smem:$0x3FB1]  }
0x2b: {  	s6 =	sld [smem:$0x3FB2]  }
0x2c: {  	s7 =	sld [smem:$0x3FB3]  }
0x2d: {  	s3 =	simm.s32 $0x108;
	s8 =	sld [smem:$0x3FB4]  }
0x2e: {  	s3 =	simm.s32 @!p0 $0x1082;
	s9 =	sld [smem:$0x3FB5]  }
0x2f: {  	lr =	sadd.s32 s0, s3;
	s0 =	sld [smem:$0x3FAC]  }
0x30: {  	s3 =	sld [smem:$0x3FAF]  }
0x31: {  	[smem:$0x3FB8] =	sst s10  }
0x32: {  	s10 =	sld [smem:$0x3FB6];
	_ =	sdelay $0x3  }
0x33: {  	p0 =	seq.s32 s10, $0x1;
	s10 =	sld [smem:$0x3FB8];
	_ =	sdelay $0x3  }
0x34: {  	[smem:$0x3FB8] =	sst s10  }
0x35: {  	s10 =	sld [smem:$0x3FB7];
	_ =	sdelay $0x3  }
0x36: {  	p1 =	seq.s32 s10, $0x1;
	s10 =	sld [smem:$0x3FB8];
	_ =	sdelay $0x3  }
0x37: {  	[smem:$0x3FB8] =	sst s10  }
0x38: {  	s10 =	sld [smem:$0x3FB9]  }
0x39: {  	_ = 	snop;
	(pc) =	sbr.ind lr, $3  }
0x3a: {  	_ = 	snop  }
0x3b: {  	_ = 	snop  }
0x3c: {  	p2 =	seq.s32 s10, $0x1;
	s10 =	sld [smem:$0x3FB8]  }
0x3d: {  	_ =	shalt  }
0x3e: {  	_ =	shalt  }
0x3f: {  	_ =	shalt  }
0x40: {  	_ =	shalt  }
0x41: {  	_ =	shalt  }
0x42: {  	_ =	shalt  }
0x43: {  	_ =	shalt  }
0x44: {  	_ =	shalt  }
0x45: {  	_ =	shalt  }
0x46: {  	_ =	shalt  }
0x47: {  	_ =	shalt  }
0x48: {  	_ =	shalt  }
0x49: {  	_ =	shalt  }
0x4a: {  	_ =	shalt  }
0x4b: {  	_ =	shalt  }
0x4c: {  	_ =	shalt  }
0x4d: {  	_ =	shalt  }
0x4e: {  	_ =	shalt  }
0x4f: {  	_ =	shalt  }
0x50: {  	_ =	shalt  }
0x51: {  	_ =	shalt  }
0x52: {  	_ =	shalt  }
0x53: {  	_ =	shalt  }
0x54: {  	_ =	shalt  }
0x55: {  	_ =	shalt  }
0x56: {  	_ =	shalt  }
0x57: {  	_ =	shalt  }
0x58: {  	_ =	shalt  }
0x59: {  	_ =	shalt  }
0x5a: {  	_ =	shalt  }
0x5b: {  	_ =	shalt  }
0x5c: {  	_ =	shalt  }
0x5d: {  	_ =	shalt  }
0x5e: {  	_ =	shalt  }
0x5f: {  	_ =	shalt  }
0x60: {  	_ =	shalt  }
0x61: {  	_ =	shalt  }
0x62: {  	_ =	shalt  }
0x63: {  	_ =	shalt  }
0x64: {  	_ =	shalt  }
0x65: {  	_ =	shalt  }
0x66: {  	_ =	shalt  }
0x67: {  	_ =	shalt  }
0x68: {  	_ =	shalt  }
0x69: {  	_ =	shalt  }
0x6a: {  	_ =	shalt  }
0x6b: {  	_ =	shalt  }
0x6c: {  	_ =	shalt  }
0x6d: {  	_ =	shalt  }
0x6e: {  	_ =	shalt  }
0x6f: {  	_ =	shalt  }
0x70: {  	_ =	shalt  }
0x71: {  	_ =	shalt  }
0x72: {  	_ =	shalt  }
0x73: {  	_ =	shalt  }
0x74: {  	_ =	shalt  }
0x75: {  	_ =	shalt  }
0x76: {  	_ =	shalt  }
0x77: {  	_ =	shalt  }
0x78: {  	_ =	shalt  }
0x79: {  	_ =	shalt  }
0x7a: {  	_ =	shalt  }
0x7b: {  	_ =	shalt  }
0x7c: {  	_ =	shalt  }
0x7d: {  	_ =	shalt  }
0x7e: {  	_ =	shalt  }
0x7f: {  	_ =	shalt  }
0x80: {  	_ =	shalt  }
0x81: {  	_ =	shalt  }
0x82: {  	_ =	shalt  }
0x83: {  	_ =	shalt  }
0x84: {  	_ =	shalt  }
0x85: {  	_ =	shalt  }
0x86: {  	_ =	shalt  }
0x87: {  	_ =	shalt  }
.Lfunc_end0:
.L_simem_size_0:
called_computation_lowered:
.L_overlay_start_0:
0x88: {  	s2 =	sld [smem:$0x3FD9]  }
0x89: {  	s3 =	sld [smem:$0x3FFE];
	_ =	sdelay $0x1  }
0x8a: {  	s1 =	srdreg.scid  }
0x8b: {  	s0 =	sand.u32 $0x1, s1  }
0x8c: {  	s17 =	sshll.u32 s0, $0xA;
	s2 =	sadd.s32 s3, s2  }
0x8d: {  	s2 =	sadd.s32 s2, s17  }
0x8e: {  	[smem:$0x3FC4] =	sst s2  }
0x8f: {  	_ = 	snop  }
0x90: {  	s2 =	sld [smem:$0x3FD0];
	(tm) =	ssettm $0x1  }
0x91: {  	s18 =	sld [smem:$0x3FFB];
	_ =	sdelay $0x3  }
0x92: {  	_ =	strace s18  }
0x93: {  	s3 =	sld [smem:$0x3FFC];
	_ =	sdelay $0x3  }
0x94: {  	_ =	strace s3  }
0x95: {  	s3 =	sld [smem:$0x3FFD];
	_ =	sdelay $0x3  }
0x96: {  	_ =	strace s3  }
0x97: {  	_ =	strace $0x8FFFFFFF  }
0x98: {  	s19 =	sld [smem:$0x3FDB];
	_ =	sdelay $0x1  }
0x99: {  	s4 =	simm.s32 $_scs_section_size  }
0x9a: {  	s5 =	simm.s32 $_size__tile_overlayer_lowered;
	s6 =	simm.s32 $_tile_overlayer_lowered  }
0x9b: {  	s22 =	simm.s32 $0x1BFF;
	s21 =	sshll.u32 s6, $0x1;
	s3 =	sadd.s32 s4, s19  }
0x9c: {  	s7 =	simm.s32 $0x0;
	s20 =	sshll.u32 s5, $0x1;
	s5 =	sadd.s32 s21, s3  }
0x9d: {  	[timem:s7], [sflag:s22] =	dma.local [hbm:s5], s20  }
0x9e: {  	_ =	swait.ge [sflag:s22], s20  }
0x9f: {  	s4 =	ssub.s32 $0x0, s20;
	[sflag:s22] =	ssyncset.done $0x0  }
0xa0: {  	[sflag:s22] =	ssyncadd.s32 s4;
	_ =	sdelay $0x1  }
0xa1: {  	s23 =	simm.s32 $0x1B8B  }
0xa2: {  	_ =	swait.ge [sflag:s23], $0x1  }
0xa3: {  	[sflag:s23] =	ssyncset.done $0x0  }
0xa4: {  	s25 =	simm.s32 $0x1B8E;
	s24 =	sld [smem:$0x3FFE];
	[sflag:s23] =	ssyncadd.s32 $0xFFFFFFFF  }
0xa5: {  	s26 =	simm.s32 $execute0_lowered;
	[smem:$0x3FD2] =	sst s25  }
0xa6: {  	s5 =	sshll.u32 s26, $0x1;
	_ =	strace $0x80000046;
	[dreg:$0x1] =	wrdreg $0xFFFFFFFF  }
0xa7: {  	s28 =	simm.s32 $_size_execute0_lowered;
	s3 =	sadd.s32 s3, s5;
	[dreg:$0x0] =	wrdreg $0x0  }
0xa8: {  	s5 =	sshll.u32 s28, $0x1;
	[dreg:$0x2] =	wrdreg s3  }
0xa9: {  	[dreg:$0x3] =	wrdreg s5  }
0xaa: {  	[dreg:$0x4] =	wrdreg $0xC0  }
0xab: {  	_ =	task [dreg:s7], $0x5FFFF  }
0xac: {  	[dreg:$0x1] =	wrdreg $0xFFFFFFFF  }
0xad: {  	[dreg:$0x0] =	wrdreg $0x60  }
0xae: {  	[dreg:$0x2] =	wrdreg s2  }
0xaf: {  	[dreg:$0x3] =	wrdreg s24  }
0xb0: {  	[dreg:$0x4] =	wrdreg $0x28800  }
0xb1: {  	[dreg:$0x5] =	wrdreg $0x9  }
0xb2: {  	_ =	task.clear_ibuf [dreg:s7], $0x6FFFF;
	_ =	strace $0x90000046  }
0xb3: {  	s29 =	simm.s32 $0x9;
	_ =	strace $0x80000048  }
0xb4: {  	_ =	swait.ge [sflag:s29], $0x1  }
0xb5: {  	[sflag:s29] =	ssyncadd.s32 $0xFFFFFFFF  }
0xb6: {  	_ =	strace $0x90000048  }
0xb7: {  	_ =	sfence  }
0xb8: {  	s30 =	sld [smem:$0x0];
	_ =	sdelay $0x2  }
0xb9: {  	s31 =	sshll.u32 s1, $0xD;
	s1 =	sshrl.u32 s1, $0x2  }
0xba: {  	s3 =	sand.u32 $0x4000, s31;
	s1 =	sadd.s32 s1, s30  }
0xbb: {  	s0 =	sor.u32 s3, s0;
	s1 =	sshll.u32 s1, $0x11  }
0xbc: {  	s0 =	sor.u32 s1, s0  }
0xbd: {  	s0 =	sadd.s32 $0x8F2B, s0  }
0xbe: {  	[sflag:s0] =	ssyncadd.remote.s32 $0x1  }
0xbf: {  	_ =	sfence.sel $0xFFFF  }
0xc0: {  	[dreg:$0x0] =	wrdreg $0xFFFFFFFF;
	(pc) =	sbr.abs _section_cstart, $3  }
0xc1: {  	[dreg:$0x1] =	wrdreg $0xFFFFFFFF  }
0xc2: {  	_ =	task.clear_ibuf [dreg:s7], $0x2FFFF;
	_ =	strace $0x9FFFFFFF  }
0xc3: {  	(tm) =	ssettm $0x7FFFFFFF  }
tec
execute0_lowered:
.L_overlay_start_1:
0x0: {  	(tag) =	ssettag $0x1  }
0x1: {  	s7 =	rddreg [dreg:$0x0]  }
0x2: {  	s6 =	rddreg [dreg:$0x1]  }
0x3: {  	s2 =	rddreg [dreg:$0x2]  }
0x4: {  	s0 =	rddreg [dreg:$0x3]  }
0x5: {  	s3 =	simm.s32 $0x0;
	s4 =	srdreg.scid;
	s1 =	stileid.u32  }
0x6: {  	s13 =	simm.s32 $0x80;
	s14 =	simm.s32 $0x1;
	s15 =	simm.s32 $0x20  }
0x7: {  	s16 =	simm.s32 $0x10;
	s17 =	simm.s32 $0x0;
	s8 =	smul.u32 $0x500, s1  }
0x8: {  	[smem:$0x7FF] =	sst s3;
	s5 =	sand.u32 $0x1, s4;
	s10 =	smul.u32 $0xA00, s1  }
0x9: {  	s4 =	sadd.s32 $0xB400, s6;
	s12 =	smul.u32 $0x2800, s1;
	s31 =	sshll.u32 s1, $0x6  }
0xa: {  	_ =	strace $0x80000047;
	s9 =	sshll.u32 s5, $0x7;
	s28 =	smul.u32 $0x28000, s5  }
0xb: {  	s11 =	ssub.s32 $0x2, s5;
	s5 =	sadd.s32 $0xB600, s6;
	s8 =	sor.u32 s9, s8  }
0xc: {  	s29 =	sshrl.u32 s11, $0x1;
	s30 =	sshrl.u32 s10, $0x2;
	s8 =	sshrl.u32 s8, $0x3  }
0xd: {  	s11 =	ssub.s32 s11, s29;
	s9 =	sadd.s32 s12, s28;
	s10 =	sadd.s32 s30, s2  }
0xe: {  	s12 =	simm.s32 $0x2800;
	s8 =	sadd.s32 s8, s6;
	s9 =	sshrl.u32 s9, $0x3  }
0xf: {  	s6 =	sor.u32 $0x1C02, s31;
	s10 =	sshrl.u32 s10, $0x3;
	s7 =	sadd.s32 s7, s9  }
0x10: {  	s8 =	sadd.s32 $0xB800, s8;
	s9 =	smax.u32 s11, $0x1;
	s11 =	simm.s32 $0x2  }
.LBB2_1:
0x11: {  	[spmem:s10], [sflag:s6] =	dma.local [hbm:s4], $0x50  }
0x12: {  	_ =	swait.ge [sflag:s11], $0x50  }
0x13: {  	[sflag:s11] =	ssyncset.done $0x0  }
0x14: {  	[sflag:s11] =	ssyncadd.s32 $0xFFFFFFB0  }
0x15: {  	[tilespmem:s3], [sflag:$0x2] =	stream.linear.gather [hbm4b:s7+s3], $0x2800, $0x38;
	[tilespmem:$0x2B00] =	vst v63  }
0x16: {  	_ =	swait.ge [sflag:s11], $0x2800  }
0x17: {  	[sflag:s11] =	ssyncset.done $0x0  }
0x18: {  	[sflag:s11] =	ssyncadd.s32 $0xFFFFD800  }
0x19: {  	[tilespmem:s12], [sflag:$0x2] =	stream.linear.gather [hbm4b:s5+s3], $0x80, $0x38;
	[tilespmem:$0x2B00] =	vst v63  }
0x1a: {  	_ =	swait.ge [sflag:s11], $0x80  }
0x1b: {  	[sflag:s11] =	ssyncset.done $0x0  }
0x1c: {  	[sflag:s11] =	ssyncadd.s32 $0xFFFFFF80  }
0x1d: {  	s18 =	simm.s32 $0x0;
	[bflag:$0x0] =	sbarrier.arrive $0xFFFF  }
0x1e: {  	[spmem:s2] =	stream.indirect.scatter.add.f32 [tilespmem:s12], [sflag:$0x1], $0x1, s18, s13, $0xb8;
	[tilespmem:$0x2B00] =	vst v63  }
0x1f: {  	s24 =	simm.s32 $0x80  }
0x20: {  	[spmem:s2] =	stream.indirect.scatter.add.f32 [tilespmem:s12], [sflag:$0x1], $0x1, s24, s13, $0xb8;
	[tilespmem:$0x2B00] =	vst v63  }
0x21: {  	s25 =	simm.s32 $0x100  }
0x22: {  	[spmem:s2] =	stream.indirect.scatter.add.f32 [tilespmem:s12], [sflag:$0x1], $0x1, s25, s13, $0xb8;
	[tilespmem:$0x2B00] =	vst v63  }
0x23: {  	s26 =	simm.s32 $0x180  }
0x24: {  	[spmem:s2] =	stream.indirect.scatter.add.f32 [tilespmem:s12], [sflag:$0x1], $0x1, s26, s13, $0xb8;
	[tilespmem:$0x2B00] =	vst v63  }
0x25: {  	s28 =	simm.s32 $0x200  }
0x26: {  	[spmem:s2] =	stream.indirect.scatter.add.f32 [tilespmem:s12], [sflag:$0x1], $0x1, s28, s13, $0xb8;
	[tilespmem:$0x2B00] =	vst v63  }
0x27: {  	s29 =	simm.s32 $0x280  }
0x28: {  	[spmem:s2] =	stream.indirect.scatter.add.f32 [tilespmem:s12], [sflag:$0x1], $0x1, s29, s13, $0xb8;
	[tilespmem:$0x2B00] =	vst v63  }
0x29: {  	s30 =	simm.s32 $0x300  }
0x2a: {  	[spmem:s2] =	stream.indirect.scatter.add.f32 [tilespmem:s12], [sflag:$0x1], $0x1, s30, s13, $0xb8;
	[tilespmem:$0x2B00] =	vst v63  }
0x2b: {  	s31 =	simm.s32 $0x380  }
0x2c: {  	[spmem:s2] =	stream.indirect.scatter.add.f32 [tilespmem:s12], [sflag:$0x1], $0x1, s31, s13, $0xb8;
	[tilespmem:$0x2B00] =	vst v63  }
0x2d: {  	_ =	swait.ge [sflag:s14], $0x80  }
0x2e: {  	[sflag:s14] =	ssyncset.done $0x0  }
0x2f: {  	[sflag:s14] =	ssyncadd.s32 $0xFFFFFF80  }
0x30: {  	_ =	swait.ge [sflag:s14], $0x80  }
0x31: {  	[sflag:s14] =	ssyncset.done $0x0  }
0x32: {  	[sflag:s14] =	ssyncadd.s32 $0xFFFFFF80  }
0x33: {  	_ =	swait.ge [sflag:s14], $0x80  }
0x34: {  	[sflag:s14] =	ssyncset.done $0x0  }
0x35: {  	[sflag:s14] =	ssyncadd.s32 $0xFFFFFF80  }
0x36: {  	_ =	swait.ge [sflag:s14], $0x80  }
0x37: {  	[sflag:s14] =	ssyncset.done $0x0  }
0x38: {  	[sflag:s14] =	ssyncadd.s32 $0xFFFFFF80  }
0x39: {  	_ =	swait.ge [sflag:s14], $0x80  }
0x3a: {  	[sflag:s14] =	ssyncset.done $0x0  }
0x3b: {  	[sflag:s14] =	ssyncadd.s32 $0xFFFFFF80  }
0x3c: {  	_ =	swait.ge [sflag:s14], $0x80  }
0x3d: {  	[sflag:s14] =	ssyncset.done $0x0  }
0x3e: {  	[sflag:s14] =	ssyncadd.s32 $0xFFFFFF80  }
0x3f: {  	_ =	swait.ge [sflag:s14], $0x80  }
0x40: {  	[sflag:s14] =	ssyncset.done $0x0  }
0x41: {  	[sflag:s14] =	ssyncadd.s32 $0xFFFFFF80  }
0x42: {  	_ =	swait.ge [sflag:s14], $0x80  }
0x43: {  	s20 =	simm.s32 $0x2000;
	s18 =	simm.s32 $0x1000;
	[sflag:s14] =	ssyncset.done $0x0  }
.LBB2_2:
0x44: {  	s21 =	sshra.s32 s18, $0x2  }
0x45: {  	[sflag:s14] =	ssyncadd.s32 $0xFFFFFF80;
	s18 =	smov.u32 s20;
	s19 =	sadd.s32 $0x1000, s20  }
0x46: {  	[spmem:s2] =	stream.indirect.scatter.add.f32 [tilespmem:s12], [sflag:$0x1], $0x1, s21, s13, $0xb8;
	[tilespmem:$0x2B00] =	vst v63  }
0x47: {  	p0 =	sne.s32 s20, $0x9000;
	s20 =	sadd.s32 $0x80, s21  }
0x48: {  	[spmem:s2] =	stream.indirect.scatter.add.f32 [tilespmem:s12], [sflag:$0x1], $0x1, s20, s13, $0xb8;
	[tilespmem:$0x2B00] =	vst v63  }
0x49: {  	s20 =	sadd.s32 $0x100, s21  }
0x4a: {  	[spmem:s2] =	stream.indirect.scatter.add.f32 [tilespmem:s12], [sflag:$0x1], $0x1, s20, s13, $0xb8;
	[tilespmem:$0x2B00] =	vst v63  }
0x4b: {  	s20 =	sadd.s32 $0x180, s21  }
0x4c: {  	[spmem:s2] =	stream.indirect.scatter.add.f32 [tilespmem:s12], [sflag:$0x1], $0x1, s20, s13, $0xb8;
	[tilespmem:$0x2B00] =	vst v63  }
0x4d: {  	s20 =	sadd.s32 $0x200, s21  }
0x4e: {  	[spmem:s2] =	stream.indirect.scatter.add.f32 [tilespmem:s12], [sflag:$0x1], $0x1, s20, s13, $0xb8;
	[tilespmem:$0x2B00] =	vst v63  }
0x4f: {  	s20 =	sadd.s32 $0x280, s21  }
0x50: {  	[spmem:s2] =	stream.indirect.scatter.add.f32 [tilespmem:s12], [sflag:$0x1], $0x1, s20, s13, $0xb8;
	[tilespmem:$0x2B00] =	vst v63  }
0x51: {  	s20 =	sadd.s32 $0x300, s21  }
0x52: {  	[spmem:s2] =	stream.indirect.scatter.add.f32 [tilespmem:s12], [sflag:$0x1], $0x1, s20, s13, $0xb8;
	[tilespmem:$0x2B00] =	vst v63  }
0x53: {  	s20 =	sadd.s32 $0x380, s21  }
0x54: {  	[spmem:s2] =	stream.indirect.scatter.add.f32 [tilespmem:s12], [sflag:$0x1], $0x1, s20, s13, $0xb8;
	[tilespmem:$0x2B00] =	vst v63  }
0x55: {  	_ =	swait.ge [sflag:s14], $0x80  }
0x56: {  	[sflag:s14] =	ssyncset.done $0x0  }
0x57: {  	[sflag:s14] =	ssyncadd.s32 $0xFFFFFF80  }
0x58: {  	_ =	swait.ge [sflag:s14], $0x80  }
0x59: {  	[sflag:s14] =	ssyncset.done $0x0  }
0x5a: {  	[sflag:s14] =	ssyncadd.s32 $0xFFFFFF80  }
0x5b: {  	_ =	swait.ge [sflag:s14], $0x80  }
0x5c: {  	[sflag:s14] =	ssyncset.done $0x0  }
0x5d: {  	[sflag:s14] =	ssyncadd.s32 $0xFFFFFF80  }
0x5e: {  	_ =	swait.ge [sflag:s14], $0x80  }
0x5f: {  	[sflag:s14] =	ssyncset.done $0x0  }
0x60: {  	[sflag:s14] =	ssyncadd.s32 $0xFFFFFF80  }
0x61: {  	_ =	swait.ge [sflag:s14], $0x80  }
0x62: {  	[sflag:s14] =	ssyncset.done $0x0  }
0x63: {  	[sflag:s14] =	ssyncadd.s32 $0xFFFFFF80  }
0x64: {  	_ =	swait.ge [sflag:s14], $0x80  }
0x65: {  	[sflag:s14] =	ssyncset.done $0x0  }
0x66: {  	[sflag:s14] =	ssyncadd.s32 $0xFFFFFF80  }
.Ltmp0:
0x67: {  	_ =	swait.ge [sflag:s14], $0x80;
	(pc) =	sbr.rel @p0 .LBB2_2-.Ltmp0, $4  }
0x68: {  	[sflag:s14] =	ssyncset.done $0x0  }
0x69: {  	[sflag:s14] =	ssyncadd.s32 $0xFFFFFF80  }
0x6a: {  	_ =	swait.ge [sflag:s14], $0x80  }
0x6b: {  	s20 =	smov.u32 s19;
	[sflag:s14] =	ssyncset.done $0x0  }
0x6c: {  	s18 =	sshra.s32 s18, $0x2;
	[sflag:s14] =	ssyncadd.s32 $0xFFFFFF80  }
0x6d: {  	[spmem:s2] =	stream.indirect.scatter.add.f32 [tilespmem:s12], [sflag:$0x1], $0x1, s18, s13, $0xb8;
	[tilespmem:$0x2B00] =	vst v63  }
0x6e: {  	s19 =	sadd.s32 $0x80, s18  }
0x6f: {  	[spmem:s2] =	stream.indirect.scatter.add.f32 [tilespmem:s12], [sflag:$0x1], $0x1, s19, s13, $0xb8;
	[tilespmem:$0x2B00] =	vst v63  }
0x70: {  	s26 =	sadd.s32 $0x100, s18  }
0x71: {  	[spmem:s2] =	stream.indirect.scatter.add.f32 [tilespmem:s12], [sflag:$0x1], $0x1, s26, s13, $0xb8;
	[tilespmem:$0x2B00] =	vst v63  }
0x72: {  	s28 =	sadd.s32 $0x180, s18  }
0x73: {  	[spmem:s2] =	stream.indirect.scatter.add.f32 [tilespmem:s12], [sflag:$0x1], $0x1, s28, s13, $0xb8;
	[tilespmem:$0x2B00] =	vst v63  }
0x74: {  	s29 =	sadd.s32 $0x200, s18  }
0x75: {  	[spmem:s2] =	stream.indirect.scatter.add.f32 [tilespmem:s12], [sflag:$0x1], $0x1, s29, s13, $0xb8;
	[tilespmem:$0x2B00] =	vst v63  }
0x76: {  	s30 =	sadd.s32 $0x280, s18  }
0x77: {  	[spmem:s2] =	stream.indirect.scatter.add.f32 [tilespmem:s12], [sflag:$0x1], $0x1, s30, s13, $0xb8;
	[tilespmem:$0x2B00] =	vst v63  }
0x78: {  	s31 =	sadd.s32 $0x300, s18  }
0x79: {  	[spmem:s2] =	stream.indirect.scatter.add.f32 [tilespmem:s12], [sflag:$0x1], $0x1, s31, s13, $0xb8;
	[tilespmem:$0x2B00] =	vst v63  }
0x7a: {  	s18 =	sadd.s32 $0x380, s18  }
0x7b: {  	[spmem:s2] =	stream.indirect.scatter.add.f32 [tilespmem:s12], [sflag:$0x1], $0x1, s18, s13, $0xb8;
	[tilespmem:$0x2B00] =	vst v63  }
0x7c: {  	_ =	swait.ge [sflag:s14], $0x80  }
0x7d: {  	[sflag:s14] =	ssyncset.done $0x0  }
0x7e: {  	[sflag:s14] =	ssyncadd.s32 $0xFFFFFF80  }
0x7f: {  	_ =	swait.ge [sflag:s14], $0x80  }
0x80: {  	[sflag:s14] =	ssyncset.done $0x0  }
0x81: {  	[sflag:s14] =	ssyncadd.s32 $0xFFFFFF80  }
0x82: {  	_ =	swait.ge [sflag:s14], $0x80  }
0x83: {  	[sflag:s14] =	ssyncset.done $0x0  }
0x84: {  	[sflag:s14] =	ssyncadd.s32 $0xFFFFFF80  }
0x85: {  	_ =	swait.ge [sflag:s14], $0x80  }
0x86: {  	[sflag:s14] =	ssyncset.done $0x0  }
0x87: {  	[sflag:s14] =	ssyncadd.s32 $0xFFFFFF80  }
0x88: {  	_ =	swait.ge [sflag:s14], $0x80  }
0x89: {  	[sflag:s14] =	ssyncset.done $0x0  }
0x8a: {  	[sflag:s14] =	ssyncadd.s32 $0xFFFFFF80  }
0x8b: {  	_ =	swait.ge [sflag:s14], $0x80  }
0x8c: {  	[sflag:s14] =	ssyncset.done $0x0  }
0x8d: {  	[sflag:s14] =	ssyncadd.s32 $0xFFFFFF80  }
0x8e: {  	_ =	swait.ge [sflag:s14], $0x80  }
0x8f: {  	[sflag:s14] =	ssyncset.done $0x0  }
0x90: {  	[sflag:s14] =	ssyncadd.s32 $0xFFFFFF80  }
0x91: {  	_ =	swait.ge [sflag:s14], $0x80  }
0x92: {  	s17 =	sadd.s32 $0x1, s17;
	[sflag:s14] =	ssyncset.done $0x0  }
0x93: {  	p0 =	sne.s32 s17, s9;
	[sflag:s14] =	ssyncadd.s32 $0xFFFFFF80  }
.Ltmp1:
0x94: {  	[bflag:$0x0] =	sbarrier.arrive $0xFFFF;
	(pc) =	sbr.rel @p0 .LBB2_1-.Ltmp1, $4  }
0x95: {  	[hbm:s8@s15], [sflag:s6] =	dma.strided [spmem:s10@s16], $0x50, s14, $0x10   }
0x96: {  	_ =	swait.ge [sflag:s11], $0x50  }
0x97: {  	[sflag:s11] =	ssyncset.done $0x0  }
0x98: {  	[sflag:s11] =	ssyncadd.s32 $0xFFFFFFB0  }
0x99: {  	_ =	sfence.sel $0x180000  }
0x9a: {  	[bflag:$0x0] =	sbarrier.arrive $0xFFFF  }
0x9b: {  	p0 =	sne.s32 s1, $0x0;
	_ =	strace $0x90000047  }
0x9c: {  	s0 =	sadd.s32 @!p0 $0x100000, s0;
	[bflag:$0x2] =	sbarrier.arrive $0xFFFF  }
0x9d: {  	[sflag:s0] =	ssyncadd.tile.s32 @!p0 $0x1;
	_ =	shalt  }
.Lfunc_end2:
_tile_overlayer_lowered:
.L_overlay_start_2:
0x9e: {  	(tag) =	ssettag $0x2  }
0x9f: {  	s0 =	rddreg [dreg:$0x0];
	s2 =	stileid.u32  }
0xa0: {  	s1 =	rddreg [dreg:$0x1];
	p0 =	sne.s32 s2, $0x0  }
0xa1: {  	s3 =	rddreg [dreg:$0x2];
	[bflag:$0x3] =	sbarrier.arrive $0xFFFF;
	s2 =	simm.s32 @!p0 $0x1C02  }
0xa2: {  	[timem:s3], [sflag:s2] =	dma.local @!p0 [hbm:s0], s1  }
0xa3: {  	s0 =	simm.s32 @!p0 $0x2  }
0xa4: {  	_ =	swait.ge @!p0 [sflag:s0], s1  }
0xa5: {  	s1 =	ssub.s32 @!p0 $0x0, s1;
	[sflag:s0] =	ssyncset.done @!p0 $0x0  }
0xa6: {  	[sflag:s0] =	ssyncadd.s32 @!p0 s1  }
0xa7: {  	[bflag:$0x3] =	sbarrier.arrive $0xFFFF  }
0xa8: {  	_ =	shalt  }

</sc_bundles>
